<compile_context>
chip_gen: v7x
topology: tpu7x:2x2x1
jax: 0.10.2.dev20260603
libtpu: 0.0.44.dev20260713+nightly
codegen_flags: <defaults>
</compile_context>

<pallas_src>
import functools

import jax
import jax.numpy as jnp
from jax import lax
from jax.experimental import pallas as pl
from jax.experimental.pallas import tpu as pltpu
from jax.experimental.pallas import tpu_sc as plsc

VOCAB = 1000000
D_EMB = 64
D_PAD = 128
D_MODEL = 128
B, T, L = 1024, 50, 4
BT = B * T

NC = 2
NS = 16
NW = NC * NS
TOK_PER_W = BT // NW
CHUNK = 160
NCHUNK = TOK_PER_W // CHUNK
G = 128
NDMA = (L * CHUNK) // G


def _sc_body(idx_hbm, table_hbm, out_hbm, idx_v, rows_v, feats_v, sem):
    wid = lax.axis_index("s") * NC + lax.axis_index("c")
    base = wid * TOK_PER_W

    def chunk_body(c, _):
        pltpu.sync_copy(idx_hbm.at[wid * NCHUNK + c], idx_v)
        for j in range(NDMA):
            pltpu.make_async_copy(
                table_hbm.at[idx_v.at[j, 0]],
                rows_v.at[pl.ds(j * G, G)],
                sem,
            ).start()
        for j in range(NDMA):
            pltpu.make_async_copy(
                table_hbm.at[idx_v.at[j, 0]],
                rows_v.at[pl.ds(j * G, G)],
                sem,
            ).wait()

        def tok_body(t, _):
            for d in range(D_EMB // 16):
                sl = pl.ds(16 * d, 16)
                acc = rows_v[t, sl]
                acc = acc + rows_v[CHUNK + t, sl]
                acc = acc + rows_v[2 * CHUNK + t, sl]
                acc = acc + rows_v[3 * CHUNK + t, sl]
                feats_v[t, sl] = acc
            return 0

        lax.fori_loop(0, CHUNK, tok_body, 0, unroll=2)
        pltpu.sync_copy(feats_v, out_hbm.at[pl.ds(base + c * CHUNK, CHUNK)])
        return 0

    lax.fori_loop(0, NCHUNK, chunk_body, 0)


_sc_gather = functools.partial(
    pl.kernel,
    out_type=jax.ShapeDtypeStruct((BT, D_EMB), jnp.float32),
    mesh=plsc.VectorSubcoreMesh(core_axis_name="c", subcore_axis_name="s"),
    compiler_params=pltpu.CompilerParams(use_tc_tiling_on_sc=False),
    scratch_types=[
        pltpu.VMEM((NDMA, 1, G), jnp.int32),
        pltpu.VMEM((L * CHUNK, D_PAD), jnp.float32),
        pltpu.VMEM((CHUNK, D_EMB), jnp.float32),
        pltpu.SemaphoreType.DMA,
    ],
)(_sc_body)


TC_BLK = 1024
TC_GRID = BT // TC_BLK


def _tc_body(feats_ref, w_ref, b_ref, out_ref, mask_ref):
    f = feats_ref[...]
    h = jnp.dot(f, w_ref[...], preferred_element_type=jnp.float32) + b_ref[...]
    k = jnp.float32(0.7978845608028654)
    g = 0.5 * h * (1.0 + jnp.tanh(k * (h + 0.044715 * (h * h * h))))
    out_ref[...] = g
    absum = jnp.sum(jnp.abs(f), axis=1)
    mask_ref[...] = (absum == 0.0).astype(jnp.int32).reshape(1, 1, TC_BLK)


def _tc_proj(feats, W, b2):
    return pl.pallas_call(
        _tc_body,
        grid=(TC_GRID,),
        in_specs=[
            pl.BlockSpec((TC_BLK, D_EMB), lambda i: (i, 0)),
            pl.BlockSpec((D_EMB, D_MODEL), lambda i: (0, 0)),
            pl.BlockSpec((1, D_MODEL), lambda i: (0, 0)),
        ],
        out_specs=[
            pl.BlockSpec((TC_BLK, D_MODEL), lambda i: (i, 0)),
            pl.BlockSpec((1, 1, TC_BLK), lambda i: (i, 0, 0)),
        ],
        out_shape=[
            jax.ShapeDtypeStruct((BT, D_MODEL), jnp.float32),
            jax.ShapeDtypeStruct((TC_GRID, 1, TC_BLK), jnp.int32),
        ],
    )(feats, W, b2)


def kernel(tokens, table, W, b):
    tok = tokens.astype(jnp.int32).transpose(1, 0, 2)
    tok = tok.reshape(NW * NCHUNK, CHUNK, L).transpose(0, 2, 1)
    tok = tok.reshape(NW * NCHUNK, NDMA, 1, G)

    tablep = jnp.pad(table, ((0, 0), (0, D_PAD - D_EMB)))

    feats = _sc_gather(tok, tablep)
    out, mask_i = _tc_proj(feats, W, b.reshape(1, D_MODEL))

    out = out.reshape(T, B, D_MODEL).transpose(1, 0, 2)
    padding_mask = mask_i.reshape(T, B).astype(bool).T
    seq_mask = jnp.triu(jnp.ones((T, T), dtype=bool), k=1)
    return (out, (padding_mask, seq_mask))

# --- scband reference (transcript-rebuilt; emitter-appended) ---
"""Pipeline reference for scband-ocr-usual-embedding-66494683677007 (READ-ONLY COPY).

The authoritative reference and input builder live on the scoring server;
editing this copy changes nothing except your own understanding.
"""

import jax, jax.numpy as jnp
import numpy as np

VOCAB = 1000000
D_EMB = 64
D_MODEL = 128
B, T, L = 1024, 50, 4


def setup_inputs(seed: int = 0) -> dict:
    key = jax.random.key(seed)
    k1, k2, k3, k4 = jax.random.split(key, 4)
    tokens = jax.random.randint(k1, (B, T, L), 0, VOCAB, dtype=jnp.int64 if jax.config.jax_enable_x64 else jnp.int32)
    table = jax.random.normal(k2, (VOCAB, D_EMB), dtype=jnp.float32) * 0.02
    # padding_idx row zeroed (nn.Embedding with padding_idx)
    table = table.at[0].set(0.0)
    W = jax.random.normal(k3, (D_EMB, D_MODEL), dtype=jnp.float32) * (1.0 / np.sqrt(D_EMB))
    b = jax.random.normal(k4, (D_MODEL,), dtype=jnp.float32) * 0.01
    return {"tokens": tokens, "table": table, "W": W, "b": b}


def reference(tokens, table, W, b):
    # OcrUsualEmbedding.forward: per OCR token, gather wordpiece embeddings and
    # sum over the wordpiece dimension (features_per_batch.sum(dim=1)); all
    # batches padded to max_len then stacked.
    feats = jnp.take(table, tokens, axis=0)            # [B, T, L, D_EMB] gather
    feats = feats.sum(axis=2)                           # [B, T, D_EMB] sum over wordpieces
    # generate_padding_mask(features, padding_idx=0): positions whose feature
    # vector is all-zero are padding
    padding_mask = (jnp.sum(jnp.abs(feats), axis=-1) == 0.0)  # [B, T] bool
    # generate_sequential_mask(seq_len): causal mask (future positions masked)
    seq_mask = jnp.triu(jnp.ones((T, T), dtype=bool), k=1)    # [T, T] bool
    # out = self.proj(features); out = self.dropout(self.gelu(out)) — dropout
    # is identity in eval
    out = feats @ W + b                                  # [B, T, D_MODEL]
    out = jax.nn.gelu(out)
    return (out, (padding_mask, seq_mask))

if __name__ == "__main__":
    import jax
    _d = setup_inputs()
    print(jax.jit(kernel)(*tuple(_d.values())))

</pallas_src>

<mosaic_0001>
#map = affine_map<(d0, d1) -> (0, 0, 0, 0)>
#map1 = affine_map<(d0, d1) -> (0, 0)>
module attributes {stable_mosaic.version = 14 : i64} {
  func.func @_sc_body(%arg0: i32, %arg1: i32, %arg2: memref<320x5x1x128xi32, #tpu.memory_space<hbm>>, %arg3: memref<1000000x128xf32, #tpu.memory_space<hbm>>, %arg4: memref<51200x64xf32, #tpu.memory_space<hbm>>, %arg5: memref<5x1x128xi32, #tpu.memory_space<vmem>>, %arg6: memref<640x128xf32, #tpu.memory_space<vmem>>, %arg7: memref<160x64xf32, #tpu.memory_space<vmem>>, %arg8: memref<!tpu.dma_semaphore, #tpu.memory_space<semaphore_mem>>) attributes {dimension_semantics = [#tpu.dimension_semantics<core_parallel>, #tpu.dimension_semantics<subcore_parallel>], iteration_bounds = array<i64: 2, 16>, scalar_prefetch = 0 : i64, scratch_operands = 4 : i64, tpu.core_type = #tpu.core_type<sc_vector_subcore>, window_params = [{transform_indices = #map}, {transform_indices = #map1}, {transform_indices = #map1}]} {
    %mul3A = arith.constant 2 : i32
    %mul3A_0 = arith.muli %arg1, %mul3A : i32
    %add3A = arith.addi %mul3A_0, %arg0 : i32
    %mul3A_1 = arith.constant 1600 : i32
    %mul3A_2 = arith.muli %add3A, %mul3A_1 : i32
    %scan3A = arith.constant 0 : i32
    %scan3A_3 = arith.constant 0 : i32
    %scan3A_4 = arith.constant 10 : i32
    %scan3A_5 = arith.addi %scan3A_3, %scan3A_4 : i32
    %scan3A_6 = arith.constant 1 : i32
    %scan3A_7 = scf.for %scan3A_9 = %scan3A_3 to %scan3A_5 step %scan3A_6 iter_args(%scan3A_10 = %scan3A) -> (i32)  : i32 {
      %mul3A_11 = arith.constant 10 : i32
      %mul3A_12 = arith.muli %add3A, %mul3A_11 : i32
      %add3A_13 = arith.addi %mul3A_12, %scan3A_9 : i32
      "tpu.region"() ({
        %run_scoped3A = tpu.sem_alloc : memref<!tpu.dma_semaphore, #tpu.memory_space<semaphore_mem>>
        %dma_start3A_133 = arith.constant 0 : i32
        %dma_start3A_134 = arith.constant 0 : i32
        %dma_start3A_135 = arith.constant 0 : i32
        %dma_start3A_136 = tpu.memref_slice %arg2[%add3A_13, %dma_start3A_133, %dma_start3A_134, %dma_start3A_135] : memref<320x5x1x128xi32, #tpu.memory_space<hbm>> -> memref<1x5x1x128xi32, #tpu.memory_space<hbm>>
        %dma_start3A_137 = tpu.memref_squeeze %dma_start3A_136 : memref<1x5x1x128xi32, #tpu.memory_space<hbm>> -> memref<5x1x128xi32, #tpu.memory_space<hbm>>
        %dma_start3A_138 = arith.constant 0 : i32
        %dma_start3A_139 = arith.constant 0 : i32
        %dma_start3A_140 = arith.constant 0 : i32
        %dma_start3A_141 = tpu.memref_slice %arg2[%add3A_13, %dma_start3A_138, %dma_start3A_139, %dma_start3A_140] : memref<320x5x1x128xi32, #tpu.memory_space<hbm>> -> memref<1x5x1x128xi32, #tpu.memory_space<hbm>>
        %dma_start3A_142 = tpu.memref_squeeze %dma_start3A_141 : memref<1x5x1x128xi32, #tpu.memory_space<hbm>> -> memref<5x1x128xi32, #tpu.memory_space<hbm>>
        tpu.enqueue_dma source(%dma_start3A_142 : memref<5x1x128xi32, #tpu.memory_space<hbm>>) target(%arg5 : memref<5x1x128xi32, #tpu.memory_space<vmem>>) target_semaphore(%run_scoped3A : memref<!tpu.dma_semaphore, #tpu.memory_space<semaphore_mem>>)
        %dma_wait3A_143 = arith.constant 0 : i32
        %dma_wait3A_144 = arith.constant 0 : i32
        %dma_wait3A_145 = arith.constant 0 : i32
        %dma_wait3A_146 = tpu.memref_slice %arg2[%add3A_13, %dma_wait3A_143, %dma_wait3A_144, %dma_wait3A_145] : memref<320x5x1x128xi32, #tpu.memory_space<hbm>> -> memref<1x5x1x128xi32, #tpu.memory_space<hbm>>
        %dma_wait3A_147 = tpu.memref_squeeze %dma_wait3A_146 : memref<1x5x1x128xi32, #tpu.memory_space<hbm>> -> memref<5x1x128xi32, #tpu.memory_space<hbm>>
        %dma_wait3A_148 = arith.constant 0 : i32
        %dma_wait3A_149 = arith.constant 0 : i32
        %dma_wait3A_150 = arith.constant 0 : i32
        %dma_wait3A_151 = tpu.memref_slice %arg2[%add3A_13, %dma_wait3A_148, %dma_wait3A_149, %dma_wait3A_150] : memref<320x5x1x128xi32, #tpu.memory_space<hbm>> -> memref<1x5x1x128xi32, #tpu.memory_space<hbm>>
        %dma_wait3A_152 = tpu.memref_squeeze %dma_wait3A_151 : memref<1x5x1x128xi32, #tpu.memory_space<hbm>> -> memref<5x1x128xi32, #tpu.memory_space<hbm>>
        tpu.wait_dma2 semaphore(%run_scoped3A : memref<!tpu.dma_semaphore, #tpu.memory_space<semaphore_mem>>) src(%dma_wait3A_152 : memref<5x1x128xi32, #tpu.memory_space<hbm>>) dst(%arg5 : memref<5x1x128xi32, #tpu.memory_space<vmem>>)
        tpu.yield
      }) : () -> ()
      %dma_start3A = arith.constant 0 : i32
      %dma_start3A_14 = arith.constant 0 : i32
      %dma_start3A_15 = arith.constant 0 : i32
      %dma_start3A_16 = arith.constant 0 : i32
      %dma_start3A_17 = tpu.memref_slice %arg6[%dma_start3A_15, %dma_start3A_16] : memref<640x128xf32, #tpu.memory_space<vmem>> -> memref<128x128xf32, #tpu.memory_space<vmem>>
      %dma_start3A_18 = arith.constant 0 : i32
      %dma_start3A_19 = tpu.memref_slice %arg5[%dma_start3A, %dma_start3A_14, %dma_start3A_18] : memref<5x1x128xi32, #tpu.memory_space<vmem>> -> memref<1x1x128xi32, #tpu.memory_space<vmem>>
      %dma_start3A_20 = tpu.memref_squeeze %dma_start3A_19 : memref<1x1x128xi32, #tpu.memory_space<vmem>> -> memref<128xi32, #tpu.memory_space<vmem>>
      %dma_start3A_21 = arith.constant 0 : i32
      %dma_start3A_22 = arith.constant 0 : i32
      %dma_start3A_23 = tpu.memref_slice %arg3[%dma_start3A_21, %dma_start3A_22] : memref<1000000x128xf32, #tpu.memory_space<hbm>> -> memref<1000000x128xf32, #tpu.memory_space<hbm>>
      tpu.enqueue_indirect_dma source(%dma_start3A_23 : memref<1000000x128xf32, #tpu.memory_space<hbm>>) target(%dma_start3A_17 : memref<128x128xf32, #tpu.memory_space<vmem>>) offsets(%dma_start3A_20 : memref<128xi32, #tpu.memory_space<vmem>>) semaphore(%arg8 : memref<!tpu.dma_semaphore, #tpu.memory_space<semaphore_mem>>)
      %dma_start3A_24 = arith.constant 1 : i32
      %dma_start3A_25 = arith.constant 0 : i32
      %dma_start3A_26 = arith.constant 128 : i32
      %dma_start3A_27 = arith.constant 0 : i32
      %dma_start3A_28 = tpu.memref_slice %arg6[%dma_start3A_26, %dma_start3A_27] : memref<640x128xf32, #tpu.memory_space<vmem>> -> memref<128x128xf32, #tpu.memory_space<vmem>>
      %dma_start3A_29 = arith.constant 0 : i32
      %dma_start3A_30 = tpu.memref_slice %arg5[%dma_start3A_24, %dma_start3A_25, %dma_start3A_29] : memref<5x1x128xi32, #tpu.memory_space<vmem>> -> memref<1x1x128xi32, #tpu.memory_space<vmem>>
      %dma_start3A_31 = tpu.memref_squeeze %dma_start3A_30 : memref<1x1x128xi32, #tpu.memory_space<vmem>> -> memref<128xi32, #tpu.memory_space<vmem>>
      %dma_start3A_32 = arith.constant 0 : i32
      %dma_start3A_33 = arith.constant 0 : i32
      %dma_start3A_34 = tpu.memref_slice %arg3[%dma_start3A_32, %dma_start3A_33] : memref<1000000x128xf32, #tpu.memory_space<hbm>> -> memref<1000000x128xf32, #tpu.memory_space<hbm>>
      tpu.enqueue_indirect_dma source(%dma_start3A_34 : memref<1000000x128xf32, #tpu.memory_space<hbm>>) target(%dma_start3A_28 : memref<128x128xf32, #tpu.memory_space<vmem>>) offsets(%dma_start3A_31 : memref<128xi32, #tpu.memory_space<vmem>>) semaphore(%arg8 : memref<!tpu.dma_semaphore, #tpu.memory_space<semaphore_mem>>)
      %dma_start3A_35 = arith.constant 2 : i32
      %dma_start3A_36 = arith.constant 0 : i32
      %dma_start3A_37 = arith.constant 256 : i32
      %dma_start3A_38 = arith.constant 0 : i32
      %dma_start3A_39 = tpu.memref_slice %arg6[%dma_start3A_37, %dma_start3A_38] : memref<640x128xf32, #tpu.memory_space<vmem>> -> memref<128x128xf32, #tpu.memory_space<vmem>>
      %dma_start3A_40 = arith.constant 0 : i32
      %dma_start3A_41 = tpu.memref_slice %arg5[%dma_start3A_35, %dma_start3A_36, %dma_start3A_40] : memref<5x1x128xi32, #tpu.memory_space<vmem>> -> memref<1x1x128xi32, #tpu.memory_space<vmem>>
      %dma_start3A_42 = tpu.memref_squeeze %dma_start3A_41 : memref<1x1x128xi32, #tpu.memory_space<vmem>> -> memref<128xi32, #tpu.memory_space<vmem>>
      %dma_start3A_43 = arith.constant 0 : i32
      %dma_start3A_44 = arith.constant 0 : i32
      %dma_start3A_45 = tpu.memref_slice %arg3[%dma_start3A_43, %dma_start3A_44] : memref<1000000x128xf32, #tpu.memory_space<hbm>> -> memref<1000000x128xf32, #tpu.memory_space<hbm>>
      tpu.enqueue_indirect_dma source(%dma_start3A_45 : memref<1000000x128xf32, #tpu.memory_space<hbm>>) target(%dma_start3A_39 : memref<128x128xf32, #tpu.memory_space<vmem>>) offsets(%dma_start3A_42 : memref<128xi32, #tpu.memory_space<vmem>>) semaphore(%arg8 : memref<!tpu.dma_semaphore, #tpu.memory_space<semaphore_mem>>)
      %dma_start3A_46 = arith.constant 3 : i32
      %dma_start3A_47 = arith.constant 0 : i32
      %dma_start3A_48 = arith.constant 384 : i32
      %dma_start3A_49 = arith.constant 0 : i32
      %dma_start3A_50 = tpu.memref_slice %arg6[%dma_start3A_48, %dma_start3A_49] : memref<640x128xf32, #tpu.memory_space<vmem>> -> memref<128x128xf32, #tpu.memory_space<vmem>>
      %dma_start3A_51 = arith.constant 0 : i32
      %dma_start3A_52 = tpu.memref_slice %arg5[%dma_start3A_46, %dma_start3A_47, %dma_start3A_51] : memref<5x1x128xi32, #tpu.memory_space<vmem>> -> memref<1x1x128xi32, #tpu.memory_space<vmem>>
      %dma_start3A_53 = tpu.memref_squeeze %dma_start3A_52 : memref<1x1x128xi32, #tpu.memory_space<vmem>> -> memref<128xi32, #tpu.memory_space<vmem>>
      %dma_start3A_54 = arith.constant 0 : i32
      %dma_start3A_55 = arith.constant 0 : i32
      %dma_start3A_56 = tpu.memref_slice %arg3[%dma_start3A_54, %dma_start3A_55] : memref<1000000x128xf32, #tpu.memory_space<hbm>> -> memref<1000000x128xf32, #tpu.memory_space<hbm>>
      tpu.enqueue_indirect_dma source(%dma_start3A_56 : memref<1000000x128xf32, #tpu.memory_space<hbm>>) target(%dma_start3A_50 : memref<128x128xf32, #tpu.memory_space<vmem>>) offsets(%dma_start3A_53 : memref<128xi32, #tpu.memory_space<vmem>>) semaphore(%arg8 : memref<!tpu.dma_semaphore, #tpu.memory_space<semaphore_mem>>)
      %dma_start3A_57 = arith.constant 4 : i32
      %dma_start3A_58 = arith.constant 0 : i32
      %dma_start3A_59 = arith.constant 512 : i32
      %dma_start3A_60 = arith.constant 0 : i32
      %dma_start3A_61 = tpu.memref_slice %arg6[%dma_start3A_59, %dma_start3A_60] : memref<640x128xf32, #tpu.memory_space<vmem>> -> memref<128x128xf32, #tpu.memory_space<vmem>>
      %dma_start3A_62 = arith.constant 0 : i32
      %dma_start3A_63 = tpu.memref_slice %arg5[%dma_start3A_57, %dma_start3A_58, %dma_start3A_62] : memref<5x1x128xi32, #tpu.memory_space<vmem>> -> memref<1x1x128xi32, #tpu.memory_space<vmem>>
      %dma_start3A_64 = tpu.memref_squeeze %dma_start3A_63 : memref<1x1x128xi32, #tpu.memory_space<vmem>> -> memref<128xi32, #tpu.memory_space<vmem>>
      %dma_start3A_65 = arith.constant 0 : i32
      %dma_start3A_66 = arith.constant 0 : i32
      %dma_start3A_67 = tpu.memref_slice %arg3[%dma_start3A_65, %dma_start3A_66] : memref<1000000x128xf32, #tpu.memory_space<hbm>> -> memref<1000000x128xf32, #tpu.memory_space<hbm>>
      tpu.enqueue_indirect_dma source(%dma_start3A_67 : memref<1000000x128xf32, #tpu.memory_space<hbm>>) target(%dma_start3A_61 : memref<128x128xf32, #tpu.memory_space<vmem>>) offsets(%dma_start3A_64 : memref<128xi32, #tpu.memory_space<vmem>>) semaphore(%arg8 : memref<!tpu.dma_semaphore, #tpu.memory_space<semaphore_mem>>)
      %dma_wait3A = arith.constant 0 : i32
      %dma_wait3A_68 = arith.constant 0 : i32
      %dma_wait3A_69 = arith.constant 0 : i32
      %dma_wait3A_70 = arith.constant 0 : i32
      %dma_wait3A_71 = tpu.memref_slice %arg6[%dma_wait3A_69, %dma_wait3A_70] : memref<640x128xf32, #tpu.memory_space<vmem>> -> memref<128x128xf32, #tpu.memory_space<vmem>>
      %dma_wait3A_72 = arith.constant 0 : i32
      %dma_wait3A_73 = tpu.memref_slice %arg5[%dma_wait3A, %dma_wait3A_68, %dma_wait3A_72] : memref<5x1x128xi32, #tpu.memory_space<vmem>> -> memref<1x1x128xi32, #tpu.memory_space<vmem>>
      %dma_wait3A_74 = tpu.memref_squeeze %dma_wait3A_73 : memref<1x1x128xi32, #tpu.memory_space<vmem>> -> memref<128xi32, #tpu.memory_space<vmem>>
      %dma_wait3A_75 = arith.constant 0 : i32
      %dma_wait3A_76 = arith.constant 0 : i32
      %dma_wait3A_77 = tpu.memref_slice %arg3[%dma_wait3A_75, %dma_wait3A_76] : memref<1000000x128xf32, #tpu.memory_space<hbm>> -> memref<1000000x128xf32, #tpu.memory_space<hbm>>
      tpu.wait_indirect_dma semaphore(%arg8 : memref<!tpu.dma_semaphore, #tpu.memory_space<semaphore_mem>>) src(%dma_wait3A_77 : memref<1000000x128xf32, #tpu.memory_space<hbm>>) dst(%dma_wait3A_71 : memref<128x128xf32, #tpu.memory_space<vmem>>)
      %dma_wait3A_78 = arith.constant 1 : i32
      %dma_wait3A_79 = arith.constant 0 : i32
      %dma_wait3A_80 = arith.constant 128 : i32
      %dma_wait3A_81 = arith.constant 0 : i32
      %dma_wait3A_82 = tpu.memref_slice %arg6[%dma_wait3A_80, %dma_wait3A_81] : memref<640x128xf32, #tpu.memory_space<vmem>> -> memref<128x128xf32, #tpu.memory_space<vmem>>
      %dma_wait3A_83 = arith.constant 0 : i32
      %dma_wait3A_84 = tpu.memref_slice %arg5[%dma_wait3A_78, %dma_wait3A_79, %dma_wait3A_83] : memref<5x1x128xi32, #tpu.memory_space<vmem>> -> memref<1x1x128xi32, #tpu.memory_space<vmem>>
      %dma_wait3A_85 = tpu.memref_squeeze %dma_wait3A_84 : memref<1x1x128xi32, #tpu.memory_space<vmem>> -> memref<128xi32, #tpu.memory_space<vmem>>
      %dma_wait3A_86 = arith.constant 0 : i32
      %dma_wait3A_87 = arith.constant 0 : i32
      %dma_wait3A_88 = tpu.memref_slice %arg3[%dma_wait3A_86, %dma_wait3A_87] : memref<1000000x128xf32, #tpu.memory_space<hbm>> -> memref<1000000x128xf32, #tpu.memory_space<hbm>>
      tpu.wait_indirect_dma semaphore(%arg8 : memref<!tpu.dma_semaphore, #tpu.memory_space<semaphore_mem>>) src(%dma_wait3A_88 : memref<1000000x128xf32, #tpu.memory_space<hbm>>) dst(%dma_wait3A_82 : memref<128x128xf32, #tpu.memory_space<vmem>>)
      %dma_wait3A_89 = arith.constant 2 : i32
      %dma_wait3A_90 = arith.constant 0 : i32
      %dma_wait3A_91 = arith.constant 256 : i32
      %dma_wait3A_92 = arith.constant 0 : i32
      %dma_wait3A_93 = tpu.memref_slice %arg6[%dma_wait3A_91, %dma_wait3A_92] : memref<640x128xf32, #tpu.memory_space<vmem>> -> memref<128x128xf32, #tpu.memory_space<vmem>>
      %dma_wait3A_94 = arith.constant 0 : i32
      %dma_wait3A_95 = tpu.memref_slice %arg5[%dma_wait3A_89, %dma_wait3A_90, %dma_wait3A_94] : memref<5x1x128xi32, #tpu.memory_space<vmem>> -> memref<1x1x128xi32, #tpu.memory_space<vmem>>
      %dma_wait3A_96 = tpu.memref_squeeze %dma_wait3A_95 : memref<1x1x128xi32, #tpu.memory_space<vmem>> -> memref<128xi32, #tpu.memory_space<vmem>>
      %dma_wait3A_97 = arith.constant 0 : i32
      %dma_wait3A_98 = arith.constant 0 : i32
      %dma_wait3A_99 = tpu.memref_slice %arg3[%dma_wait3A_97, %dma_wait3A_98] : memref<1000000x128xf32, #tpu.memory_space<hbm>> -> memref<1000000x128xf32, #tpu.memory_space<hbm>>
      tpu.wait_indirect_dma semaphore(%arg8 : memref<!tpu.dma_semaphore, #tpu.memory_space<semaphore_mem>>) src(%dma_wait3A_99 : memref<1000000x128xf32, #tpu.memory_space<hbm>>) dst(%dma_wait3A_93 : memref<128x128xf32, #tpu.memory_space<vmem>>)
      %dma_wait3A_100 = arith.constant 3 : i32
      %dma_wait3A_101 = arith.constant 0 : i32
      %dma_wait3A_102 = arith.constant 384 : i32
      %dma_wait3A_103 = arith.constant 0 : i32
      %dma_wait3A_104 = tpu.memref_slice %arg6[%dma_wait3A_102, %dma_wait3A_103] : memref<640x128xf32, #tpu.memory_space<vmem>> -> memref<128x128xf32, #tpu.memory_space<vmem>>
      %dma_wait3A_105 = arith.constant 0 : i32
      %dma_wait3A_106 = tpu.memref_slice %arg5[%dma_wait3A_100, %dma_wait3A_101, %dma_wait3A_105] : memref<5x1x128xi32, #tpu.memory_space<vmem>> -> memref<1x1x128xi32, #tpu.memory_space<vmem>>
      %dma_wait3A_107 = tpu.memref_squeeze %dma_wait3A_106 : memref<1x1x128xi32, #tpu.memory_space<vmem>> -> memref<128xi32, #tpu.memory_space<vmem>>
      %dma_wait3A_108 = arith.constant 0 : i32
      %dma_wait3A_109 = arith.constant 0 : i32
      %dma_wait3A_110 = tpu.memref_slice %arg3[%dma_wait3A_108, %dma_wait3A_109] : memref<1000000x128xf32, #tpu.memory_space<hbm>> -> memref<1000000x128xf32, #tpu.memory_space<hbm>>
      tpu.wait_indirect_dma semaphore(%arg8 : memref<!tpu.dma_semaphore, #tpu.memory_space<semaphore_mem>>) src(%dma_wait3A_110 : memref<1000000x128xf32, #tpu.memory_space<hbm>>) dst(%dma_wait3A_104 : memref<128x128xf32, #tpu.memory_space<vmem>>)
      %dma_wait3A_111 = arith.constant 4 : i32
      %dma_wait3A_112 = arith.constant 0 : i32
      %dma_wait3A_113 = arith.constant 512 : i32
      %dma_wait3A_114 = arith.constant 0 : i32
      %dma_wait3A_115 = tpu.memref_slice %arg6[%dma_wait3A_113, %dma_wait3A_114] : memref<640x128xf32, #tpu.memory_space<vmem>> -> memref<128x128xf32, #tpu.memory_space<vmem>>
      %dma_wait3A_116 = arith.constant 0 : i32
      %dma_wait3A_117 = tpu.memref_slice %arg5[%dma_wait3A_111, %dma_wait3A_112, %dma_wait3A_116] : memref<5x1x128xi32, #tpu.memory_space<vmem>> -> memref<1x1x128xi32, #tpu.memory_space<vmem>>
      %dma_wait3A_118 = tpu.memref_squeeze %dma_wait3A_117 : memref<1x1x128xi32, #tpu.memory_space<vmem>> -> memref<128xi32, #tpu.memory_space<vmem>>
      %dma_wait3A_119 = arith.constant 0 : i32
      %dma_wait3A_120 = arith.constant 0 : i32
      %dma_wait3A_121 = tpu.memref_slice %arg3[%dma_wait3A_119, %dma_wait3A_120] : memref<1000000x128xf32, #tpu.memory_space<hbm>> -> memref<1000000x128xf32, #tpu.memory_space<hbm>>
      tpu.wait_indirect_dma semaphore(%arg8 : memref<!tpu.dma_semaphore, #tpu.memory_space<semaphore_mem>>) src(%dma_wait3A_121 : memref<1000000x128xf32, #tpu.memory_space<hbm>>) dst(%dma_wait3A_115 : memref<128x128xf32, #tpu.memory_space<vmem>>)
      %scan3A_122 = arith.constant 0 : i32
      %scan3A_123 = arith.constant 0 : i32
      %scan3A_124 = arith.constant 160 : i32
      %scan3A_125 = arith.addi %scan3A_123, %scan3A_124 : i32
      %scan3A_126 = arith.constant 2 : i32
      %scan3A_127 = scf.for %scan3A_133 = %scan3A_123 to %scan3A_125 step %scan3A_126 iter_args(%scan3A_134 = %scan3A_122) -> (i32)  : i32 {
        %get3A = arith.index_cast %scan3A_133 : i32 to index
        %get3A_135 = arith.constant 0 : index
        %get3A_136 = tpu.vector_load %arg6[%get3A, %get3A_135] {strides = array<i32>} : memref<640x128xf32, #tpu.memory_space<vmem>>, vector<1x16xf32>,
        %get3A_137 = vector.shape_cast %get3A_136 : vector<1x16xf32> to vector<16xf32>
        %add3A_138 = arith.constant 160 : i32
        %add3A_139 = arith.addi %add3A_138, %scan3A_133 : i32
        %get3A_140 = arith.index_cast %add3A_139 : i32 to index
        %get3A_141 = arith.constant 0 : index
        %get3A_142 = tpu.vector_load %arg6[%get3A_140, %get3A_141] {strides = array<i32>} : memref<640x128xf32, #tpu.memory_space<vmem>>, vector<1x16xf32>,
        %get3A_143 = vector.shape_cast %get3A_142 : vector<1x16xf32> to vector<16xf32>
        %add3A_144 = arith.addf %get3A_137, %get3A_143 : vector<16xf32>
        %add3A_145 = arith.constant 320 : i32
        %add3A_146 = arith.addi %add3A_145, %scan3A_133 : i32
        %get3A_147 = arith.index_cast %add3A_146 : i32 to index
        %get3A_148 = arith.constant 0 : index
        %get3A_149 = tpu.vector_load %arg6[%get3A_147, %get3A_148] {strides = array<i32>} : memref<640x128xf32, #tpu.memory_space<vmem>>, vector<1x16xf32>,
        %get3A_150 = vector.shape_cast %get3A_149 : vector<1x16xf32> to vector<16xf32>
        %add3A_151 = arith.addf %add3A_144, %get3A_150 : vector<16xf32>
        %add3A_152 = arith.constant 480 : i32
        %add3A_153 = arith.addi %add3A_152, %scan3A_133 : i32
        %get3A_154 = arith.index_cast %add3A_153 : i32 to index
        %get3A_155 = arith.constant 0 : index
        %get3A_156 = tpu.vector_load %arg6[%get3A_154, %get3A_155] {strides = array<i32>} : memref<640x128xf32, #tpu.memory_space<vmem>>, vector<1x16xf32>,
        %get3A_157 = vector.shape_cast %get3A_156 : vector<1x16xf32> to vector<16xf32>
        %add3A_158 = arith.addf %add3A_151, %get3A_157 : vector<16xf32>
        %swap3A = arith.index_cast %scan3A_133 : i32 to index
        %swap3A_159 = arith.constant 0 : index
        %swap3A_160 = tpu.vector_load %arg7[%swap3A, %swap3A_159] {strides = array<i32>} : memref<160x64xf32, #tpu.memory_space<vmem>>, vector<1x16xf32>,
        %swap3A_161 = vector.shape_cast %swap3A_160 : vector<1x16xf32> to vector<16xf32>
        %swap3A_162 = vector.shape_cast %add3A_158 : vector<16xf32> to vector<1x16xf32>
        tpu.vector_store %arg7[%swap3A, %swap3A_159], %swap3A_162 {strides = array<i32>} : memref<160x64xf32, #tpu.memory_space<vmem>>, vector<1x16xf32>,
        %get3A_163 = arith.index_cast %scan3A_133 : i32 to index
        %get3A_164 = arith.constant 16 : index
        %get3A_165 = tpu.vector_load %arg6[%get3A_163, %get3A_164] {strides = array<i32>} : memref<640x128xf32, #tpu.memory_space<vmem>>, vector<1x16xf32>,
        %get3A_166 = vector.shape_cast %get3A_165 : vector<1x16xf32> to vector<16xf32>
        %add3A_167 = arith.constant 160 : i32
        %add3A_168 = arith.addi %add3A_167, %scan3A_133 : i32
        %get3A_169 = arith.index_cast %add3A_168 : i32 to index
        %get3A_170 = arith.constant 16 : index
        %get3A_171 = tpu.vector_load %arg6[%get3A_169, %get3A_170] {strides = array<i32>} : memref<640x128xf32, #tpu.memory_space<vmem>>, vector<1x16xf32>,
        %get3A_172 = vector.shape_cast %get3A_171 : vector<1x16xf32> to vector<16xf32>
        %add3A_173 = arith.addf %get3A_166, %get3A_172 : vector<16xf32>
        %add3A_174 = arith.constant 320 : i32
        %add3A_175 = arith.addi %add3A_174, %scan3A_133 : i32
        %get3A_176 = arith.index_cast %add3A_175 : i32 to index
        %get3A_177 = arith.constant 16 : index
        %get3A_178 = tpu.vector_load %arg6[%get3A_176, %get3A_177] {strides = array<i32>} : memref<640x128xf32, #tpu.memory_space<vmem>>, vector<1x16xf32>,
        %get3A_179 = vector.shape_cast %get3A_178 : vector<1x16xf32> to vector<16xf32>
        %add3A_180 = arith.addf %add3A_173, %get3A_179 : vector<16xf32>
        %add3A_181 = arith.constant 480 : i32
        %add3A_182 = arith.addi %add3A_181, %scan3A_133 : i32
        %get3A_183 = arith.index_cast %add3A_182 : i32 to index
        %get3A_184 = arith.constant 16 : index
        %get3A_185 = tpu.vector_load %arg6[%get3A_183, %get3A_184] {strides = array<i32>} : memref<640x128xf32, #tpu.memory_space<vmem>>, vector<1x16xf32>,
        %get3A_186 = vector.shape_cast %get3A_185 : vector<1x16xf32> to vector<16xf32>
        %add3A_187 = arith.addf %add3A_180, %get3A_186 : vector<16xf32>
        %swap3A_188 = arith.index_cast %scan3A_133 : i32 to index
        %swap3A_189 = arith.constant 16 : index
        %swap3A_190 = tpu.vector_load %arg7[%swap3A_188, %swap3A_189] {strides = array<i32>} : memref<160x64xf32, #tpu.memory_space<vmem>>, vector<1x16xf32>,
        %swap3A_191 = vector.shape_cast %swap3A_190 : vector<1x16xf32> to vector<16xf32>
        %swap3A_192 = vector.shape_cast %add3A_187 : vector<16xf32> to vector<1x16xf32>
        tpu.vector_store %arg7[%swap3A_188, %swap3A_189], %swap3A_192 {strides = array<i32>} : memref<160x64xf32, #tpu.memory_space<vmem>>, vector<1x16xf32>,
        %get3A_193 = arith.index_cast %scan3A_133 : i32 to index
        %get3A_194 = arith.constant 32 : index
        %get3A_195 = tpu.vector_load %arg6[%get3A_193, %get3A_194] {strides = array<i32>} : memref<640x128xf32, #tpu.memory_space<vmem>>, vector<1x16xf32>,
        %get3A_196 = vector.shape_cast %get3A_195 : vector<1x16xf32> to vector<16xf32>
        %add3A_197 = arith.constant 160 : i32
        %add3A_198 = arith.addi %add3A_197, %scan3A_133 : i32
        %get3A_199 = arith.index_cast %add3A_198 : i32 to index
        %get3A_200 = arith.constant 32 : index
        %get3A_201 = tpu.vector_load %arg6[%get3A_199, %get3A_200] {strides = array<i32>} : memref<640x128xf32, #tpu.memory_space<vmem>>, vector<1x16xf32>,
        %get3A_202 = vector.shape_cast %get3A_201 : vector<1x16xf32> to vector<16xf32>
        %add3A_203 = arith.addf %get3A_196, %get3A_202 : vector<16xf32>
        %add3A_204 = arith.constant 320 : i32
        %add3A_205 = arith.addi %add3A_204, %scan3A_133 : i32
        %get3A_206 = arith.index_cast %add3A_205 : i32 to index
        %get3A_207 = arith.constant 32 : index
        %get3A_208 = tpu.vector_load %arg6[%get3A_206, %get3A_207] {strides = array<i32>} : memref<640x128xf32, #tpu.memory_space<vmem>>, vector<1x16xf32>,
        %get3A_209 = vector.shape_cast %get3A_208 : vector<1x16xf32> to vector<16xf32>
        %add3A_210 = arith.addf %add3A_203, %get3A_209 : vector<16xf32>
        %add3A_211 = arith.constant 480 : i32
        %add3A_212 = arith.addi %add3A_211, %scan3A_133 : i32
        %get3A_213 = arith.index_cast %add3A_212 : i32 to index
        %get3A_214 = arith.constant 32 : index
        %get3A_215 = tpu.vector_load %arg6[%get3A_213, %get3A_214] {strides = array<i32>} : memref<640x128xf32, #tpu.memory_space<vmem>>, vector<1x16xf32>,
        %get3A_216 = vector.shape_cast %get3A_215 : vector<1x16xf32> to vector<16xf32>
        %add3A_217 = arith.addf %add3A_210, %get3A_216 : vector<16xf32>
        %swap3A_218 = arith.index_cast %scan3A_133 : i32 to index
        %swap3A_219 = arith.constant 32 : index
        %swap3A_220 = tpu.vector_load %arg7[%swap3A_218, %swap3A_219] {strides = array<i32>} : memref<160x64xf32, #tpu.memory_space<vmem>>, vector<1x16xf32>,
        %swap3A_221 = vector.shape_cast %swap3A_220 : vector<1x16xf32> to vector<16xf32>
        %swap3A_222 = vector.shape_cast %add3A_217 : vector<16xf32> to vector<1x16xf32>
        tpu.vector_store %arg7[%swap3A_218, %swap3A_219], %swap3A_222 {strides = array<i32>} : memref<160x64xf32, #tpu.memory_space<vmem>>, vector<1x16xf32>,
        %get3A_223 = arith.index_cast %scan3A_133 : i32 to index
        %get3A_224 = arith.constant 48 : index
        %get3A_225 = tpu.vector_load %arg6[%get3A_223, %get3A_224] {strides = array<i32>} : memref<640x128xf32, #tpu.memory_space<vmem>>, vector<1x16xf32>,
        %get3A_226 = vector.shape_cast %get3A_225 : vector<1x16xf32> to vector<16xf32>
        %add3A_227 = arith.constant 160 : i32
        %add3A_228 = arith.addi %add3A_227, %scan3A_133 : i32
        %get3A_229 = arith.index_cast %add3A_228 : i32 to index
        %get3A_230 = arith.constant 48 : index
        %get3A_231 = tpu.vector_load %arg6[%get3A_229, %get3A_230] {strides = array<i32>} : memref<640x128xf32, #tpu.memory_space<vmem>>, vector<1x16xf32>,
        %get3A_232 = vector.shape_cast %get3A_231 : vector<1x16xf32> to vector<16xf32>
        %add3A_233 = arith.addf %get3A_226, %get3A_232 : vector<16xf32>
        %add3A_234 = arith.constant 320 : i32
        %add3A_235 = arith.addi %add3A_234, %scan3A_133 : i32
        %get3A_236 = arith.index_cast %add3A_235 : i32 to index
        %get3A_237 = arith.constant 48 : index
        %get3A_238 = tpu.vector_load %arg6[%get3A_236, %get3A_237] {strides = array<i32>} : memref<640x128xf32, #tpu.memory_space<vmem>>, vector<1x16xf32>,
        %get3A_239 = vector.shape_cast %get3A_238 : vector<1x16xf32> to vector<16xf32>
        %add3A_240 = arith.addf %add3A_233, %get3A_239 : vector<16xf32>
        %add3A_241 = arith.constant 480 : i32
        %add3A_242 = arith.addi %add3A_241, %scan3A_133 : i32
        %get3A_243 = arith.index_cast %add3A_242 : i32 to index
        %get3A_244 = arith.constant 48 : index
        %get3A_245 = tpu.vector_load %arg6[%get3A_243, %get3A_244] {strides = array<i32>} : memref<640x128xf32, #tpu.memory_space<vmem>>, vector<1x16xf32>,
        %get3A_246 = vector.shape_cast %get3A_245 : vector<1x16xf32> to vector<16xf32>
        %add3A_247 = arith.addf %add3A_240, %get3A_246 : vector<16xf32>
        %swap3A_248 = arith.index_cast %scan3A_133 : i32 to index
        %swap3A_249 = arith.constant 48 : index
        %swap3A_250 = tpu.vector_load %arg7[%swap3A_248, %swap3A_249] {strides = array<i32>} : memref<160x64xf32, #tpu.memory_space<vmem>>, vector<1x16xf32>,
        %swap3A_251 = vector.shape_cast %swap3A_250 : vector<1x16xf32> to vector<16xf32>
        %swap3A_252 = vector.shape_cast %add3A_247 : vector<16xf32> to vector<1x16xf32>
        tpu.vector_store %arg7[%swap3A_248, %swap3A_249], %swap3A_252 {strides = array<i32>} : memref<160x64xf32, #tpu.memory_space<vmem>>, vector<1x16xf32>,
        %scan3A_253 = arith.constant 0 : i32
        %scan3A_254 = arith.constant 1 : i32
        %scan3A_255 = arith.addi %scan3A_133, %scan3A_254 : i32
        %get3A_256 = arith.index_cast %scan3A_255 : i32 to index
        %get3A_257 = arith.constant 0 : index
        %get3A_258 = tpu.vector_load %arg6[%get3A_256, %get3A_257] {strides = array<i32>} : memref<640x128xf32, #tpu.memory_space<vmem>>, vector<1x16xf32>,
        %get3A_259 = vector.shape_cast %get3A_258 : vector<1x16xf32> to vector<16xf32>
        %add3A_260 = arith.constant 160 : i32
        %add3A_261 = arith.addi %add3A_260, %scan3A_255 : i32
        %get3A_262 = arith.index_cast %add3A_261 : i32 to index
        %get3A_263 = arith.constant 0 : index
        %get3A_264 = tpu.vector_load %arg6[%get3A_262, %get3A_263] {strides = array<i32>} : memref<640x128xf32, #tpu.memory_space<vmem>>, vector<1x16xf32>,
        %get3A_265 = vector.shape_cast %get3A_264 : vector<1x16xf32> to vector<16xf32>
        %add3A_266 = arith.addf %get3A_259, %get3A_265 : vector<16xf32>
        %add3A_267 = arith.constant 320 : i32
        %add3A_268 = arith.addi %add3A_267, %scan3A_255 : i32
        %get3A_269 = arith.index_cast %add3A_268 : i32 to index
        %get3A_270 = arith.constant 0 : index
        %get3A_271 = tpu.vector_load %arg6[%get3A_269, %get3A_270] {strides = array<i32>} : memref<640x128xf32, #tpu.memory_space<vmem>>, vector<1x16xf32>,
        %get3A_272 = vector.shape_cast %get3A_271 : vector<1x16xf32> to vector<16xf32>
        %add3A_273 = arith.addf %add3A_266, %get3A_272 : vector<16xf32>
        %add3A_274 = arith.constant 480 : i32
        %add3A_275 = arith.addi %add3A_274, %scan3A_255 : i32
        %get3A_276 = arith.index_cast %add3A_275 : i32 to index
        %get3A_277 = arith.constant 0 : index
        %get3A_278 = tpu.vector_load %arg6[%get3A_276, %get3A_277] {strides = array<i32>} : memref<640x128xf32, #tpu.memory_space<vmem>>, vector<1x16xf32>,
        %get3A_279 = vector.shape_cast %get3A_278 : vector<1x16xf32> to vector<16xf32>
        %add3A_280 = arith.addf %add3A_273, %get3A_279 : vector<16xf32>
        %swap3A_281 = arith.index_cast %scan3A_255 : i32 to index
        %swap3A_282 = arith.constant 0 : index
        %swap3A_283 = tpu.vector_load %arg7[%swap3A_281, %swap3A_282] {strides = array<i32>} : memref<160x64xf32, #tpu.memory_space<vmem>>, vector<1x16xf32>,
        %swap3A_284 = vector.shape_cast %swap3A_283 : vector<1x16xf32> to vector<16xf32>
        %swap3A_285 = vector.shape_cast %add3A_280 : vector<16xf32> to vector<1x16xf32>
        tpu.vector_store %arg7[%swap3A_281, %swap3A_282], %swap3A_285 {strides = array<i32>} : memref<160x64xf32, #tpu.memory_space<vmem>>, vector<1x16xf32>,
        %get3A_286 = arith.index_cast %scan3A_255 : i32 to index
        %get3A_287 = arith.constant 16 : index
        %get3A_288 = tpu.vector_load %arg6[%get3A_286, %get3A_287] {strides = array<i32>} : memref<640x128xf32, #tpu.memory_space<vmem>>, vector<1x16xf32>,
        %get3A_289 = vector.shape_cast %get3A_288 : vector<1x16xf32> to vector<16xf32>
        %add3A_290 = arith.constant 160 : i32
        %add3A_291 = arith.addi %add3A_290, %scan3A_255 : i32
        %get3A_292 = arith.index_cast %add3A_291 : i32 to index
        %get3A_293 = arith.constant 16 : index
        %get3A_294 = tpu.vector_load %arg6[%get3A_292, %get3A_293] {strides = array<i32>} : memref<640x128xf32, #tpu.memory_space<vmem>>, vector<1x16xf32>,
        %get3A_295 = vector.shape_cast %get3A_294 : vector<1x16xf32> to vector<16xf32>
        %add3A_296 = arith.addf %get3A_289, %get3A_295 : vector<16xf32>
        %add3A_297 = arith.constant 320 : i32
        %add3A_298 = arith.addi %add3A_297, %scan3A_255 : i32
        %get3A_299 = arith.index_cast %add3A_298 : i32 to index
        %get3A_300 = arith.constant 16 : index
        %get3A_301 = tpu.vector_load %arg6[%get3A_299, %get3A_300] {strides = array<i32>} : memref<640x128xf32, #tpu.memory_space<vmem>>, vector<1x16xf32>,
        %get3A_302 = vector.shape_cast %get3A_301 : vector<1x16xf32> to vector<16xf32>
        %add3A_303 = arith.addf %add3A_296, %get3A_302 : vector<16xf32>
        %add3A_304 = arith.constant 480 : i32
        %add3A_305 = arith.addi %add3A_304, %scan3A_255 : i32
        %get3A_306 = arith.index_cast %add3A_305 : i32 to index
        %get3A_307 = arith.constant 16 : index
        %get3A_308 = tpu.vector_load %arg6[%get3A_306, %get3A_307] {strides = array<i32>} : memref<640x128xf32, #tpu.memory_space<vmem>>, vector<1x16xf32>,
        %get3A_309 = vector.shape_cast %get3A_308 : vector<1x16xf32> to vector<16xf32>
        %add3A_310 = arith.addf %add3A_303, %get3A_309 : vector<16xf32>
        %swap3A_311 = arith.index_cast %scan3A_255 : i32 to index
        %swap3A_312 = arith.constant 16 : index
        %swap3A_313 = tpu.vector_load %arg7[%swap3A_311, %swap3A_312] {strides = array<i32>} : memref<160x64xf32, #tpu.memory_space<vmem>>, vector<1x16xf32>,
        %swap3A_314 = vector.shape_cast %swap3A_313 : vector<1x16xf32> to vector<16xf32>
        %swap3A_315 = vector.shape_cast %add3A_310 : vector<16xf32> to vector<1x16xf32>
        tpu.vector_store %arg7[%swap3A_311, %swap3A_312], %swap3A_315 {strides = array<i32>} : memref<160x64xf32, #tpu.memory_space<vmem>>, vector<1x16xf32>,
        %get3A_316 = arith.index_cast %scan3A_255 : i32 to index
        %get3A_317 = arith.constant 32 : index
        %get3A_318 = tpu.vector_load %arg6[%get3A_316, %get3A_317] {strides = array<i32>} : memref<640x128xf32, #tpu.memory_space<vmem>>, vector<1x16xf32>,
        %get3A_319 = vector.shape_cast %get3A_318 : vector<1x16xf32> to vector<16xf32>
        %add3A_320 = arith.constant 160 : i32
        %add3A_321 = arith.addi %add3A_320, %scan3A_255 : i32
        %get3A_322 = arith.index_cast %add3A_321 : i32 to index
        %get3A_323 = arith.constant 32 : index
        %get3A_324 = tpu.vector_load %arg6[%get3A_322, %get3A_323] {strides = array<i32>} : memref<640x128xf32, #tpu.memory_space<vmem>>, vector<1x16xf32>,
        %get3A_325 = vector.shape_cast %get3A_324 : vector<1x16xf32> to vector<16xf32>
        %add3A_326 = arith.addf %get3A_319, %get3A_325 : vector<16xf32>
        %add3A_327 = arith.constant 320 : i32
        %add3A_328 = arith.addi %add3A_327, %scan3A_255 : i32
        %get3A_329 = arith.index_cast %add3A_328 : i32 to index
        %get3A_330 = arith.constant 32 : index
        %get3A_331 = tpu.vector_load %arg6[%get3A_329, %get3A_330] {strides = array<i32>} : memref<640x128xf32, #tpu.memory_space<vmem>>, vector<1x16xf32>,
        %get3A_332 = vector.shape_cast %get3A_331 : vector<1x16xf32> to vector<16xf32>
        %add3A_333 = arith.addf %add3A_326, %get3A_332 : vector<16xf32>
        %add3A_334 = arith.constant 480 : i32
        %add3A_335 = arith.addi %add3A_334, %scan3A_255 : i32
        %get3A_336 = arith.index_cast %add3A_335 : i32 to index
        %get3A_337 = arith.constant 32 : index
        %get3A_338 = tpu.vector_load %arg6[%get3A_336, %get3A_337] {strides = array<i32>} : memref<640x128xf32, #tpu.memory_space<vmem>>, vector<1x16xf32>,
        %get3A_339 = vector.shape_cast %get3A_338 : vector<1x16xf32> to vector<16xf32>
        %add3A_340 = arith.addf %add3A_333, %get3A_339 : vector<16xf32>
        %swap3A_341 = arith.index_cast %scan3A_255 : i32 to index
        %swap3A_342 = arith.constant 32 : index
        %swap3A_343 = tpu.vector_load %arg7[%swap3A_341, %swap3A_342] {strides = array<i32>} : memref<160x64xf32, #tpu.memory_space<vmem>>, vector<1x16xf32>,
        %swap3A_344 = vector.shape_cast %swap3A_343 : vector<1x16xf32> to vector<16xf32>
        %swap3A_345 = vector.shape_cast %add3A_340 : vector<16xf32> to vector<1x16xf32>
        tpu.vector_store %arg7[%swap3A_341, %swap3A_342], %swap3A_345 {strides = array<i32>} : memref<160x64xf32, #tpu.memory_space<vmem>>, vector<1x16xf32>,
        %get3A_346 = arith.index_cast %scan3A_255 : i32 to index
        %get3A_347 = arith.constant 48 : index
        %get3A_348 = tpu.vector_load %arg6[%get3A_346, %get3A_347] {strides = array<i32>} : memref<640x128xf32, #tpu.memory_space<vmem>>, vector<1x16xf32>,
        %get3A_349 = vector.shape_cast %get3A_348 : vector<1x16xf32> to vector<16xf32>
        %add3A_350 = arith.constant 160 : i32
        %add3A_351 = arith.addi %add3A_350, %scan3A_255 : i32
        %get3A_352 = arith.index_cast %add3A_351 : i32 to index
        %get3A_353 = arith.constant 48 : index
        %get3A_354 = tpu.vector_load %arg6[%get3A_352, %get3A_353] {strides = array<i32>} : memref<640x128xf32, #tpu.memory_space<vmem>>, vector<1x16xf32>,
        %get3A_355 = vector.shape_cast %get3A_354 : vector<1x16xf32> to vector<16xf32>
        %add3A_356 = arith.addf %get3A_349, %get3A_355 : vector<16xf32>
        %add3A_357 = arith.constant 320 : i32
        %add3A_358 = arith.addi %add3A_357, %scan3A_255 : i32
        %get3A_359 = arith.index_cast %add3A_358 : i32 to index
        %get3A_360 = arith.constant 48 : index
        %get3A_361 = tpu.vector_load %arg6[%get3A_359, %get3A_360] {strides = array<i32>} : memref<640x128xf32, #tpu.memory_space<vmem>>, vector<1x16xf32>,
        %get3A_362 = vector.shape_cast %get3A_361 : vector<1x16xf32> to vector<16xf32>
        %add3A_363 = arith.addf %add3A_356, %get3A_362 : vector<16xf32>
        %add3A_364 = arith.constant 480 : i32
        %add3A_365 = arith.addi %add3A_364, %scan3A_255 : i32
        %get3A_366 = arith.index_cast %add3A_365 : i32 to index
        %get3A_367 = arith.constant 48 : index
        %get3A_368 = tpu.vector_load %arg6[%get3A_366, %get3A_367] {strides = array<i32>} : memref<640x128xf32, #tpu.memory_space<vmem>>, vector<1x16xf32>,
        %get3A_369 = vector.shape_cast %get3A_368 : vector<1x16xf32> to vector<16xf32>
        %add3A_370 = arith.addf %add3A_363, %get3A_369 : vector<16xf32>
        %swap3A_371 = arith.index_cast %scan3A_255 : i32 to index
        %swap3A_372 = arith.constant 48 : index
        %swap3A_373 = tpu.vector_load %arg7[%swap3A_371, %swap3A_372] {strides = array<i32>} : memref<160x64xf32, #tpu.memory_space<vmem>>, vector<1x16xf32>,
        %swap3A_374 = vector.shape_cast %swap3A_373 : vector<1x16xf32> to vector<16xf32>
        %swap3A_375 = vector.shape_cast %add3A_370 : vector<16xf32> to vector<1x16xf32>
        tpu.vector_store %arg7[%swap3A_371, %swap3A_372], %swap3A_375 {strides = array<i32>} : memref<160x64xf32, #tpu.memory_space<vmem>>, vector<1x16xf32>,
        %scan3A_376 = arith.constant 0 : i32
        scf.yield %scan3A_376 : i32
      }
      %scan3A_128 = arith.constant 160 : i32
      %mul3A_129 = arith.constant 160 : i32
      %mul3A_130 = arith.muli %scan3A_9, %mul3A_129 : i32
      %add3A_131 = arith.addi %mul3A_2, %mul3A_130 : i32
      "tpu.region"() ({
        %run_scoped3A = tpu.sem_alloc : memref<!tpu.dma_semaphore, #tpu.memory_space<semaphore_mem>>
        %dma_start3A_133 = arith.constant 0 : i32
        %dma_start3A_134 = tpu.memref_slice %arg4[%add3A_131, %dma_start3A_133] : memref<51200x64xf32, #tpu.memory_space<hbm>> -> memref<160x64xf32, #tpu.memory_space<hbm>>
        %dma_start3A_135 = arith.constant 0 : i32
        %dma_start3A_136 = tpu.memref_slice %arg4[%add3A_131, %dma_start3A_135] : memref<51200x64xf32, #tpu.memory_space<hbm>> -> memref<160x64xf32, #tpu.memory_space<hbm>>
        tpu.enqueue_dma source(%arg7 : memref<160x64xf32, #tpu.memory_space<vmem>>) target(%dma_start3A_136 : memref<160x64xf32, #tpu.memory_space<hbm>>) target_semaphore(%run_scoped3A : memref<!tpu.dma_semaphore, #tpu.memory_space<semaphore_mem>>)
        %dma_wait3A_137 = arith.constant 0 : i32
        %dma_wait3A_138 = tpu.memref_slice %arg4[%add3A_131, %dma_wait3A_137] : memref<51200x64xf32, #tpu.memory_space<hbm>> -> memref<160x64xf32, #tpu.memory_space<hbm>>
        %dma_wait3A_139 = arith.constant 0 : i32
        %dma_wait3A_140 = tpu.memref_slice %arg4[%add3A_131, %dma_wait3A_139] : memref<51200x64xf32, #tpu.memory_space<hbm>> -> memref<160x64xf32, #tpu.memory_space<hbm>>
        tpu.wait_dma2 semaphore(%run_scoped3A : memref<!tpu.dma_semaphore, #tpu.memory_space<semaphore_mem>>) src(%arg7 : memref<160x64xf32, #tpu.memory_space<vmem>>) dst(%dma_wait3A_140 : memref<160x64xf32, #tpu.memory_space<hbm>>)
        tpu.yield
      }) : () -> ()
      %scan3A_132 = arith.constant 0 : i32
      scf.yield %scan3A_132 : i32
    }
    %scan3A_8 = arith.constant 10 : i32
    return
  }
}

module attributes {stable_mosaic.version = 14 : i64} {
  func.func @_tc_body(%arg0: i32, %arg1: memref<1024x64xf32, #tpu.memory_space<vmem>>, %arg2: memref<64x128xf32, #tpu.memory_space<vmem>>, %arg3: memref<1x128xf32, #tpu.memory_space<vmem>>, %arg4: memref<1024x128xf32, #tpu.memory_space<vmem>>, %arg5: memref<1x1x1024xi32, #tpu.memory_space<vmem>>) attributes {dimension_semantics = [#tpu.dimension_semantics<arbitrary>], iteration_bounds = array<i64: 50>, scalar_prefetch = 0 : i64, scratch_operands = 0 : i64, tpu.core_type = #tpu.core_type<tc>, window_params = [{transform_indices = @transform_0, window_bounds = array<i64: 1024, 64>}, {pipeline_mode = #tpu.pipeline_mode<synchronous>, transform_indices = @transform_1, window_bounds = array<i64: 64, 128>}, {pipeline_mode = #tpu.pipeline_mode<synchronous>, transform_indices = @transform_2, window_bounds = array<i64: 1, 128>}, {transform_indices = @transform_3, window_bounds = array<i64: 1024, 128>}, {transform_indices = @transform_4, window_bounds = array<i64: 1, 1, 1024>}]} {
    %get3A = arith.constant 0 : index
    %get3A_0 = arith.constant 0 : index
    %get3A_1 = vector.load %arg1[%get3A, %get3A_0] : memref<1024x64xf32, #tpu.memory_space<vmem>>, vector<1024x64xf32>
    %get3A_2 = arith.constant 0 : index
    %get3A_3 = arith.constant 0 : index
    %get3A_4 = vector.load %arg2[%get3A_2, %get3A_3] : memref<64x128xf32, #tpu.memory_space<vmem>>, vector<64x128xf32>
    %dot_general3A = arith.constant dense<0.000000e+00> : vector<1024x128xf32>
    %dot_general3A_5 = tpu.matmul %get3A_1, %get3A_4, %dot_general3A {dimension_numbers = #tpu.dot_dimension_numbers<[1], [0], [0], [1], [0, 0, 1, 1], [], []>, transpose_lhs_hint = false} : vector<1024x64xf32>, vector<64x128xf32>, vector<1024x128xf32> -> vector<1024x128xf32>
    %get3A_6 = arith.constant 0 : index
    %get3A_7 = arith.constant 0 : index
    %get3A_8 = vector.load %arg3[%get3A_6, %get3A_7] : memref<1x128xf32, #tpu.memory_space<vmem>>, vector<1x128xf32>
    %add3A = vector.broadcast %get3A_8 : vector<1x128xf32> to vector<1024x128xf32>
    %add3A_9 = arith.addf %dot_general3A_5, %add3A : vector<1024x128xf32>
    %mul3A = arith.constant 5.000000e-01 : f32
    %mul3A_10 = vector.broadcast %mul3A : f32 to vector<1024x128xf32>
    %mul3A_11 = arith.mulf %mul3A_10, %add3A_9 : vector<1024x128xf32>
    %mul3A_12 = arith.mulf %add3A_9, %add3A_9 : vector<1024x128xf32>
    %mul3A_13 = arith.mulf %mul3A_12, %add3A_9 : vector<1024x128xf32>
    %mul3A_14 = arith.constant 4.471500e-02 : f32
    %mul3A_15 = vector.broadcast %mul3A_14 : f32 to vector<1024x128xf32>
    %mul3A_16 = arith.mulf %mul3A_15, %mul3A_13 : vector<1024x128xf32>
    %add3A_17 = arith.addf %add3A_9, %mul3A_16 : vector<1024x128xf32>
    %mul3A_18 = arith.constant 0.797884583 : f32
    %mul3A_19 = vector.broadcast %mul3A_18 : f32 to vector<1024x128xf32>
    %mul3A_20 = arith.mulf %mul3A_19, %add3A_17 : vector<1024x128xf32>
    %tanh3A = math.tanh %mul3A_20 : vector<1024x128xf32>
    %add3A_21 = arith.constant 1.000000e+00 : f32
    %add3A_22 = vector.broadcast %add3A_21 : f32 to vector<1024x128xf32>
    %add3A_23 = arith.addf %add3A_22, %tanh3A : vector<1024x128xf32>
    %mul3A_24 = arith.mulf %mul3A_11, %add3A_23 : vector<1024x128xf32>
    %swap3A = arith.constant 0 : index
    %swap3A_25 = arith.constant 0 : index
    %swap3A_26 = vector.load %arg4[%swap3A, %swap3A_25] : memref<1024x128xf32, #tpu.memory_space<vmem>>, vector<1024x128xf32>
    tpu.vector_store %arg4[%swap3A, %swap3A_25], %mul3A_24 {strides = array<i32>} : memref<1024x128xf32, #tpu.memory_space<vmem>>, vector<1024x128xf32>,
    %abs3A = math.absf %get3A_1 : vector<1024x64xf32>
    %reduce_sum3A = arith.constant dense<0.000000e+00> : vector<1024xf32>
    %reduce_sum3A_27 = vector.multi_reduction <add>, %abs3A, %reduce_sum3A [1] : vector<1024x64xf32> to vector<1024xf32>
    %eq3A = arith.constant 0.000000e+00 : f32
    %eq3A_28 = vector.broadcast %eq3A : f32 to vector<1024xf32>
    %eq3A_29 = arith.cmpf oeq, %reduce_sum3A_27, %eq3A_28 : vector<1024xf32>
    %convert_element_type3A = arith.extui %eq3A_29 : vector<1024xi1> to vector<1024xi32>
    %reshape3A = vector.shape_cast %convert_element_type3A : vector<1024xi32> to vector<1x1x1024xi32>
    %swap3A_30 = arith.constant 0 : index
    %swap3A_31 = arith.constant 0 : index
    %swap3A_32 = arith.constant 0 : index
    %swap3A_33 = vector.load %arg5[%swap3A_30, %swap3A_31, %swap3A_32] : memref<1x1x1024xi32, #tpu.memory_space<vmem>>, vector<1x1x1024xi32>
    tpu.vector_store %arg5[%swap3A_30, %swap3A_31, %swap3A_32], %reshape3A {strides = array<i32>} : memref<1x1x1024xi32, #tpu.memory_space<vmem>>, vector<1x1x1024xi32>,
    return
  }
  func.func @transform_0(%arg0: i32) -> (i32, i32) {
    %c0_i32 = arith.constant 0 : i32
    %c0_i32_0 = arith.constant 0 : i32
    return %arg0, %c0_i32 : i32, i32
  }
  func.func @transform_1(%arg0: i32) -> (i32, i32) {
    %c0_i32 = arith.constant 0 : i32
    %c0_i32_0 = arith.constant 0 : i32
    %c0_i32_1 = arith.constant 0 : i32
    return %c0_i32, %c0_i32_0 : i32, i32
  }
  func.func @transform_2(%arg0: i32) -> (i32, i32) {
    %c0_i32 = arith.constant 0 : i32
    %c0_i32_0 = arith.constant 0 : i32
    %c0_i32_1 = arith.constant 0 : i32
    return %c0_i32, %c0_i32_0 : i32, i32
  }
  func.func @transform_3(%arg0: i32) -> (i32, i32) {
    %c0_i32 = arith.constant 0 : i32
    %c0_i32_0 = arith.constant 0 : i32
    return %arg0, %c0_i32 : i32, i32
  }
  func.func @transform_4(%arg0: i32) -> (i32, i32, i32) {
    %c0_i32 = arith.constant 0 : i32
    %c0_i32_0 = arith.constant 0 : i32
    %c0_i32_1 = arith.constant 0 : i32
    return %arg0, %c0_i32, %c0_i32_0 : i32, i32, i32
  }
}

</mosaic_0001>

<sc_bundles>
// kernel: kernel.4.cloned.1.call-start
scs
__scs_entry_jumppad:
0x0: {  	(pc) =	sbr.rel $0x88, $3  }
0x1: {  	(tag) =	ssettag $0x0;
	lr =	simm.s32 $0x1  }
0x2: {  	[smem:$0x3F9D] =	sst lr;
	_ =	strace $0xD0000000  }
0x3: {  	_ = 	snop  }
0x4: {  	_ = 	snop  }
0x5: {  	_ = 	snop  }
0x6: {  	_ = 	snop  }
0x7: {  	_ = 	snop  }
__scs_overlays_trampoline_lowered:
0x8: {  	[smem:$0x3FAC] =	sst s0  }
0x9: {  	[smem:$0x3FAD] =	sst s1  }
0xa: {  	[smem:$0x3FAE] =	sst s2  }
0xb: {  	[smem:$0x3FAF] =	sst s3  }
0xc: {  	[smem:$0x3FB0] =	sst s4  }
0xd: {  	[smem:$0x3FB1] =	sst s5  }
0xe: {  	[smem:$0x3FB2] =	sst s6  }
0xf: {  	[smem:$0x3FB3] =	sst s7  }
0x10: {  	[smem:$0x3FB4] =	sst s8  }
0x11: {  	[smem:$0x3FB5] =	sst s9;
	s0 =	simm.s32 @!p0 $0x0  }
0x12: {  	s1 =	sld [smem:$0x3F9B];
	s0 =	simm.s32 @p0 $0x1  }
0x13: {  	[smem:$0x3FB6] =	sst s0;
	s0 =	simm.s32 @!p1 $0x0  }
0x14: {  	s2 =	sld [smem:$0x3F9A];
	s0 =	simm.s32 @p1 $0x1  }
0x15: {  	[smem:$0x3FB7] =	sst s0;
	s0 =	simm.s32 @!p2 $0x0  }
0x16: {  	s3 =	sld [smem:$0x3FDB];
	s0 =	simm.s32 @p2 $0x1  }
0x17: {  	s4 =	simm.s32 $0x1BF5;
	[smem:$0x3FB9] =	sst s0  }
0x18: {  	s0 =	sld [smem:$0x3F9C];
	_ =	swait.ge [sflag:s4], $0x0  }
0x19: {  	s7 =	sld [smem:$0x3F9D]  }
0x1a: {  	s8 =	sadd.s32 $0xFFFFE003, lr  }
0x1b: {  	s9 =	sadd.s32 $0xFFFFFEF7, lr;
	s5 =	simm.s32 $0xFFFFFFFF;
	p2 =	slt.u32 s8, $0xFFFFF086  }
0x1c: {  	p1 =	slt.u32 s9, $0xF7A;
	s5 =	simm.s32 @!p2 $0x0  }
0x1d: {  	s5 =	simm.s32 @p1 $0x1;
	p0 =	seq.s32 s7, s2  }
0x1e: {  	s7 =	smul.u32 @!p0 $0xF7A, s2;
	p2 =	seq.s32 @!p0 s5, $0x0  }
0x1f: {  	s9 =	smul.u32 $0xF7A, s1;
	s8 =	simm.s32 @!p0 $0x1BF5;
	p2 =	por !p2, p0  }
0x20: {  	[sflag:s8] =	ssyncset.s32 @!p0 $0xFFFFF086;
	s6 =	sadd.s32 @!p0 s3, s7;
	s7 =	simm.s32 @!p0 $0x108  }
0x21: {  	s3 =	sadd.s32 s3, s9;
	s6 =	sadd.s32 @!p0 $0x88, s6;
	s7 =	simm.s32 @p2 $0x1082  }
0x22: {  	[simem:s7], [sflag:s8] =	dma.local @!p0 [hbm:s6], $0xF7A  }
0x23: {  	s9 =	sor.u32 $0xD0000000, s2;
	s6 =	simm.s32 $0x108;
	_ =	swait.ge @!p0 [sflag:s8], $0x0  }
0x24: {  	s3 =	sadd.s32 $0x88, s3;
	s6 =	simm.s32 @!p1 $0x1082;
	[sflag:s4] =	ssyncset.s32 $0xFFFFF086  }
0x25: {  	[simem:s6], [sflag:s4] =	dma.local [hbm:s3], $0xF7A  }
0x26: {  	[smem:$0x3F9D] =	sst s1;
	(tag) =	ssettag s2;
	_ =	strace s9  }
0x27: {  	s1 =	sld [smem:$0x3FAD]  }
0x28: {  	s2 =	sld [smem:$0x3FAE]  }
0x29: {  	s4 =	sld [smem:$0x3FB0]  }
0x2a: {  	p0 =	seq.s32 s5, $0x0;
	s5 =	sld [smem:$0x3FB1]  }
0x2b: {  	s6 =	sld [smem:$0x3FB2]  }
0x2c: {  	s7 =	sld [smem:$0x3FB3]  }
0x2d: {  	s3 =	simm.s32 $0x108;
	s8 =	sld [smem:$0x3FB4]  }
0x2e: {  	s3 =	simm.s32 @!p0 $0x1082;
	s9 =	sld [smem:$0x3FB5]  }
0x2f: {  	lr =	sadd.s32 s0, s3;
	s0 =	sld [smem:$0x3FAC]  }
0x30: {  	s3 =	sld [smem:$0x3FAF]  }
0x31: {  	[smem:$0x3FB8] =	sst s10  }
0x32: {  	s10 =	sld [smem:$0x3FB6];
	_ =	sdelay $0x3  }
0x33: {  	p0 =	seq.s32 s10, $0x1;
	s10 =	sld [smem:$0x3FB8];
	_ =	sdelay $0x3  }
0x34: {  	[smem:$0x3FB8] =	sst s10  }
0x35: {  	s10 =	sld [smem:$0x3FB7];
	_ =	sdelay $0x3  }
0x36: {  	p1 =	seq.s32 s10, $0x1;
	s10 =	sld [smem:$0x3FB8];
	_ =	sdelay $0x3  }
0x37: {  	[smem:$0x3FB8] =	sst s10  }
0x38: {  	s10 =	sld [smem:$0x3FB9]  }
0x39: {  	_ = 	snop;
	(pc) =	sbr.ind lr, $3  }
0x3a: {  	_ = 	snop  }
0x3b: {  	_ = 	snop  }
0x3c: {  	p2 =	seq.s32 s10, $0x1;
	s10 =	sld [smem:$0x3FB8]  }
0x3d: {  	_ =	shalt  }
0x3e: {  	_ =	shalt  }
0x3f: {  	_ =	shalt  }
0x40: {  	_ =	shalt  }
0x41: {  	_ =	shalt  }
0x42: {  	_ =	shalt  }
0x43: {  	_ =	shalt  }
0x44: {  	_ =	shalt  }
0x45: {  	_ =	shalt  }
0x46: {  	_ =	shalt  }
0x47: {  	_ =	shalt  }
0x48: {  	_ =	shalt  }
0x49: {  	_ =	shalt  }
0x4a: {  	_ =	shalt  }
0x4b: {  	_ =	shalt  }
0x4c: {  	_ =	shalt  }
0x4d: {  	_ =	shalt  }
0x4e: {  	_ =	shalt  }
0x4f: {  	_ =	shalt  }
0x50: {  	_ =	shalt  }
0x51: {  	_ =	shalt  }
0x52: {  	_ =	shalt  }
0x53: {  	_ =	shalt  }
0x54: {  	_ =	shalt  }
0x55: {  	_ =	shalt  }
0x56: {  	_ =	shalt  }
0x57: {  	_ =	shalt  }
0x58: {  	_ =	shalt  }
0x59: {  	_ =	shalt  }
0x5a: {  	_ =	shalt  }
0x5b: {  	_ =	shalt  }
0x5c: {  	_ =	shalt  }
0x5d: {  	_ =	shalt  }
0x5e: {  	_ =	shalt  }
0x5f: {  	_ =	shalt  }
0x60: {  	_ =	shalt  }
0x61: {  	_ =	shalt  }
0x62: {  	_ =	shalt  }
0x63: {  	_ =	shalt  }
0x64: {  	_ =	shalt  }
0x65: {  	_ =	shalt  }
0x66: {  	_ =	shalt  }
0x67: {  	_ =	shalt  }
0x68: {  	_ =	shalt  }
0x69: {  	_ =	shalt  }
0x6a: {  	_ =	shalt  }
0x6b: {  	_ =	shalt  }
0x6c: {  	_ =	shalt  }
0x6d: {  	_ =	shalt  }
0x6e: {  	_ =	shalt  }
0x6f: {  	_ =	shalt  }
0x70: {  	_ =	shalt  }
0x71: {  	_ =	shalt  }
0x72: {  	_ =	shalt  }
0x73: {  	_ =	shalt  }
0x74: {  	_ =	shalt  }
0x75: {  	_ =	shalt  }
0x76: {  	_ =	shalt  }
0x77: {  	_ =	shalt  }
0x78: {  	_ =	shalt  }
0x79: {  	_ =	shalt  }
0x7a: {  	_ =	shalt  }
0x7b: {  	_ =	shalt  }
0x7c: {  	_ =	shalt  }
0x7d: {  	_ =	shalt  }
0x7e: {  	_ =	shalt  }
0x7f: {  	_ =	shalt  }
0x80: {  	_ =	shalt  }
0x81: {  	_ =	shalt  }
0x82: {  	_ =	shalt  }
0x83: {  	_ =	shalt  }
0x84: {  	_ =	shalt  }
0x85: {  	_ =	shalt  }
0x86: {  	_ =	shalt  }
0x87: {  	_ =	shalt  }
.Lfunc_end0:
.L_simem_size_0:
called_computation_lowered:
.L_overlay_start_0:
0x88: {  	s2 =	sld [smem:$0x3FD9]  }
0x89: {  	s3 =	sld [smem:$0x3FFE];
	_ =	sdelay $0x1  }
0x8a: {  	s1 =	srdreg.scid  }
0x8b: {  	s0 =	sand.u32 $0x1, s1  }
0x8c: {  	s14 =	sshll.u32 s0, $0xA;
	s2 =	sadd.s32 s3, s2  }
0x8d: {  	s2 =	sadd.s32 s2, s14  }
0x8e: {  	[smem:$0x3FC4] =	sst s2  }
0x8f: {  	_ = 	snop  }
0x90: {  	s2 =	sld [smem:$0x3FD0];
	_ =	sdelay $0x2  }
0x91: {  	s15 =	simm.s32 $0xA;
	s4 =	simm.s32 $0x10  }
0x92: {  	[smem:s4], [sflag:s15] =	dma.local [hbm:s2], $0x1  }
0x93: {  	_ =	swait.eq [sflag:s15], $0x1  }
0x94: {  	[sflag:s15] =	ssyncset.done $0x0  }
0x95: {  	[sflag:s15] =	ssyncadd.s32 $0xFFFFFFFF  }
0x96: {  	s16 =	sld [smem:$0x10];
	(tm) =	ssettm $0x1  }
0x97: {  	s17 =	sld [smem:$0x3FFB];
	_ =	sdelay $0x3  }
0x98: {  	_ =	strace s17  }
0x99: {  	s3 =	sld [smem:$0x3FFC];
	_ =	sdelay $0x3  }
0x9a: {  	_ =	strace s3  }
0x9b: {  	s3 =	sld [smem:$0x3FFD];
	_ =	sdelay $0x3  }
0x9c: {  	_ =	strace s3  }
0x9d: {  	_ =	strace $0x8FFFFFFF  }
0x9e: {  	s18 =	sld [smem:$0x3FDB];
	_ =	sdelay $0x1  }
0x9f: {  	s19 =	simm.s32 $_scs_section_size  }
0xa0: {  	s5 =	simm.s32 $_size__tile_overlayer_lowered;
	s6 =	simm.s32 $_tile_overlayer_lowered  }
0xa1: {  	s22 =	simm.s32 $0x1BFF;
	s21 =	sshll.u32 s6, $0x1;
	s3 =	sadd.s32 s19, s18  }
0xa2: {  	s7 =	simm.s32 $0x0;
	s20 =	sshll.u32 s5, $0x1;
	s5 =	sadd.s32 s21, s3  }
0xa3: {  	[timem:s7], [sflag:s22] =	dma.local [hbm:s5], s20  }
0xa4: {  	_ =	swait.ge [sflag:s22], s20  }
0xa5: {  	s4 =	ssub.s32 $0x0, s20;
	[sflag:s22] =	ssyncset.done $0x0  }
0xa6: {  	[sflag:s22] =	ssyncadd.s32 s4;
	_ =	sdelay $0x1  }
0xa7: {  	s23 =	simm.s32 $0x1B8B  }
0xa8: {  	_ =	swait.ge [sflag:s23], $0x1  }
0xa9: {  	[sflag:s23] =	ssyncset.done $0x0  }
0xaa: {  	s25 =	simm.s32 $0x1B8E;
	s24 =	sld [smem:$0x3FFE];
	[sflag:s23] =	ssyncadd.s32 $0xFFFFFFFF  }
0xab: {  	s26 =	simm.s32 $execute0_lowered;
	[smem:$0x3FD2] =	sst s25  }
0xac: {  	s5 =	sshll.u32 s26, $0x1;
	_ =	strace $0x80000046;
	[dreg:$0x1] =	wrdreg $0xFFFFFFFF  }
0xad: {  	s28 =	simm.s32 $_size_execute0_lowered;
	s3 =	sadd.s32 s3, s5;
	[dreg:$0x0] =	wrdreg $0x0  }
0xae: {  	s5 =	sshll.u32 s28, $0x1;
	[dreg:$0x2] =	wrdreg s3  }
0xaf: {  	[dreg:$0x3] =	wrdreg s5  }
0xb0: {  	[dreg:$0x4] =	wrdreg $0xC0  }
0xb1: {  	_ =	task [dreg:s7], $0x5FFFF  }
0xb2: {  	[dreg:$0x1] =	wrdreg $0xFFFFFFFF  }
0xb3: {  	[dreg:$0x0] =	wrdreg $0x60  }
0xb4: {  	[dreg:$0x2] =	wrdreg s24  }
0xb5: {  	[dreg:$0x3] =	wrdreg s16  }
0xb6: {  	[dreg:$0x4] =	wrdreg $0x9  }
0xb7: {  	_ =	task.clear_ibuf [dreg:s7], $0x5FFFF;
	_ =	strace $0x90000046  }
0xb8: {  	s29 =	simm.s32 $0x9;
	_ =	strace $0x80000048  }
0xb9: {  	_ =	swait.ge [sflag:s29], $0x1  }
0xba: {  	[sflag:s29] =	ssyncadd.s32 $0xFFFFFFFF  }
0xbb: {  	_ =	strace $0x90000048  }
0xbc: {  	_ =	sfence  }
0xbd: {  	s30 =	sld [smem:$0x0];
	_ =	sdelay $0x2  }
0xbe: {  	s31 =	sshll.u32 s1, $0xD;
	s1 =	sshrl.u32 s1, $0x2  }
0xbf: {  	s3 =	sand.u32 $0x4000, s31;
	s1 =	sadd.s32 s1, s30  }
0xc0: {  	s0 =	sor.u32 s3, s0;
	s1 =	sshll.u32 s1, $0x11  }
0xc1: {  	s0 =	sor.u32 s1, s0  }
0xc2: {  	s0 =	sadd.s32 $0x8F2B, s0  }
0xc3: {  	[sflag:s0] =	ssyncadd.remote.s32 $0x1  }
0xc4: {  	_ =	sfence.sel $0xFFFF  }
0xc5: {  	[dreg:$0x0] =	wrdreg $0xFFFFFFFF;
	(pc) =	sbr.abs _section_cstart, $3  }
0xc6: {  	[dreg:$0x1] =	wrdreg $0xFFFFFFFF  }
0xc7: {  	_ =	task.clear_ibuf [dreg:s7], $0x2FFFF;
	_ =	strace $0x9FFFFFFF  }
0xc8: {  	(tm) =	ssettm $0x7FFFFFFF  }
0xc9: {  	_ =	shalt  }
tec
execute0_lowered:
.L_overlay_start_1:
0x0: {  	(tag) =	ssettag $0x1  }
0x1: {  	s6 =	rddreg [dreg:$0x0]  }
0x2: {  	s2 =	rddreg [dreg:$0x1]  }
0x3: {  	s0 =	rddreg [dreg:$0x2];
	s4 =	srdreg.scid  }
0x4: {  	s3 =	simm.s32 $0x0;
	s1 =	stileid.u32;
	s9 =	simm.s32 $0x2  }
0x5: {  	s10 =	simm.s32 $0x80;
	s11 =	simm.s32 $0x4280;
	s12 =	simm.s32 $0x100  }
0x6: {  	s13 =	simm.s32 $0x8280;
	s14 =	simm.s32 $0x180;
	s15 =	simm.s32 $0xC280  }
0x7: {  	s16 =	simm.s32 $0x200;
	s17 =	simm.s32 $0x10280;
	s18 =	simm.s32 $0x1  }
0x8: {  	s19 =	simm.s32 $0x14280;
	s20 =	simm.s32 $0x0;
	s4 =	sand.u32 $0x1, s4  }
0x9: {  	[smem:$0x7FF] =	sst s3;
	s7 =	sshll.u32 s1, $0x1;
	s5 =	ssub.s32 $0x2, s4  }
0xa: {  	_ =	strace $0x80000047;
	s7 =	sor.u32 s4, s7;
	s8 =	sshrl.u32 s5, $0x1  }
0xb: {  	s4 =	sadd.s32 $0xF43000, s6;
	s8 =	ssub.s32 s5, s8;
	s5 =	smul.u32 $0x640, s7  }
0xc: {  	s6 =	sadd.s32 $0xF49400, s6;
	s7 =	smul.u32 $0xA, s7;
	s8 =	smax.u32 s8, $0x1  }
.LBB2_1:
0xd: {  	s21 =	simm.s32 $0x0  }
.LBB2_2:
0xe: {  	s22 =	sadd.s32 s7, s21  }
0xf: {  	s22 =	smul.u32 $0x50, s22;
	_ =	sdelay $0x1  }
0x10: {  	s22 =	sadd.s32 s4, s22  }
0x11: {  	[tilespmem:s3], [sflag:$0x2] =	stream.linear.gather [hbm4b:s22+s3], $0x280, $0x38;
	[tilespmem:$0x16A80] =	vst v63  }
0x12: {  	_ =	swait.ge [sflag:s9], $0x280  }
0x13: {  	[sflag:s9] =	ssyncset.done $0x0  }
0x14: {  	s22 =	simm.s32 $0x280;
	[sflag:s9] =	ssyncadd.s32 $0xFFFFFD80  }
0x15: {  	[tilespmem:s22], [sflag:$0x1] =	stream.indirect.gather [hbm4b:s6+s10], $0x80, s3, s10, $0xb8;
	[tilespmem:$0x16A80] =	vst v63  }
0x16: {  	_ = 	snop  }
0x17: {  	[tilespmem:s11], [sflag:$0x1] =	stream.indirect.gather [hbm4b:s6+s10], $0x80, s10, s10, $0xb8;
	[tilespmem:$0x16A80] =	vst v63  }
0x18: {  	_ = 	snop  }
0x19: {  	[tilespmem:s13], [sflag:$0x1] =	stream.indirect.gather [hbm4b:s6+s10], $0x80, s12, s10, $0xb8;
	[tilespmem:$0x16A80] =	vst v63  }
0x1a: {  	_ = 	snop  }
0x1b: {  	[tilespmem:s15], [sflag:$0x1] =	stream.indirect.gather [hbm4b:s6+s10], $0x80, s14, s10, $0xb8;
	[tilespmem:$0x16A80] =	vst v63  }
0x1c: {  	_ = 	snop  }
0x1d: {  	[tilespmem:s17], [sflag:$0x1] =	stream.indirect.gather [hbm4b:s6+s10], $0x80, s16, s10, $0xb8;
	[tilespmem:$0x16A80] =	vst v63  }
0x1e: {  	_ =	swait.ge [sflag:s18], $0x4000  }
0x1f: {  	[sflag:s18] =	ssyncset.done $0x0  }
0x20: {  	[sflag:s18] =	ssyncadd.s32 $0xFFFFC000  }
0x21: {  	_ =	swait.ge [sflag:s18], $0x4000  }
0x22: {  	[sflag:s18] =	ssyncset.done $0x0  }
0x23: {  	[sflag:s18] =	ssyncadd.s32 $0xFFFFC000  }
0x24: {  	_ =	swait.ge [sflag:s18], $0x4000  }
0x25: {  	[sflag:s18] =	ssyncset.done $0x0  }
0x26: {  	[sflag:s18] =	ssyncadd.s32 $0xFFFFC000  }
0x27: {  	_ =	swait.ge [sflag:s18], $0x4000  }
0x28: {  	[sflag:s18] =	ssyncset.done $0x0  }
0x29: {  	[sflag:s18] =	ssyncadd.s32 $0xFFFFC000  }
0x2a: {  	_ =	swait.ge [sflag:s18], $0x4000  }
0x2b: {  	[sflag:s18] =	ssyncset.done $0x0  }
0x2c: {  	[sflag:s18] =	ssyncadd.s32 $0xFFFFC000  }
0x2d: {  	v0 =	vld [tilespmem:s22+$0x5000]  }
0x2e: {  	v1 =	vld [tilespmem:s22+$0x0];
	_ =	sdelay $0x1  }
0x2f: {  	v2 =	vld [tilespmem:s22+$0xA000];
	_ =	sdelay $0x1  }
0x30: {  	v3 =	vld [tilespmem:s22+$0xF000]  }
0x31: {  	v0 =	vadd.f32 v0, v1;
	_ =	sdelay $0x1  }
0x32: {  	v0 =	vadd.f32 v2, v0;
	_ =	sdelay $0x1  }
0x33: {  	v0 =	vadd.f32 v3, v0  }
0x34: {  	s23 =	simm.s32 $0x142C0  }
0x35: {  	[tilespmem:s23+$0xFFFFFFC0] =	vst v0  }
0x36: {  	v0 =	vld [tilespmem:s22+$0x10]  }
0x37: {  	v1 =	vld [tilespmem:s22+$0x5010];
	_ =	sdelay $0x1  }
0x38: {  	v2 =	vld [tilespmem:s22+$0xA010];
	_ =	sdelay $0x1  }
0x39: {  	v3 =	vld [tilespmem:s22+$0xF010]  }
0x3a: {  	v0 =	vadd.f32 v1, v0;
	_ =	sdelay $0x1  }
0x3b: {  	v0 =	vadd.f32 v2, v0;
	_ =	sdelay $0x1  }
0x3c: {  	v0 =	vadd.f32 v3, v0;
	_ =	sdelay $0x1  }
0x3d: {  	[tilespmem:s23+$0xFFFFFFD0] =	vst v0  }
0x3e: {  	v0 =	vld [tilespmem:s22+$0x20]  }
0x3f: {  	v1 =	vld [tilespmem:s22+$0x5020];
	_ =	sdelay $0x1  }
0x40: {  	v2 =	vld [tilespmem:s22+$0xA020];
	_ =	sdelay $0x1  }
0x41: {  	v3 =	vld [tilespmem:s22+$0xF020]  }
0x42: {  	v0 =	vadd.f32 v1, v0;
	_ =	sdelay $0x1  }
0x43: {  	v0 =	vadd.f32 v2, v0;
	_ =	sdelay $0x1  }
0x44: {  	v0 =	vadd.f32 v3, v0;
	_ =	sdelay $0x1  }
0x45: {  	[tilespmem:s23+$0xFFFFFFE0] =	vst v0  }
0x46: {  	v0 =	vld [tilespmem:s22+$0x30]  }
0x47: {  	v1 =	vld [tilespmem:s22+$0x5030];
	_ =	sdelay $0x1  }
0x48: {  	v2 =	vld [tilespmem:s22+$0xA030];
	_ =	sdelay $0x1  }
0x49: {  	v3 =	vld [tilespmem:s22+$0xF030]  }
0x4a: {  	v0 =	vadd.f32 v1, v0;
	_ =	sdelay $0x1  }
0x4b: {  	v0 =	vadd.f32 v2, v0;
	_ =	sdelay $0x1  }
0x4c: {  	v0 =	vadd.f32 v3, v0;
	_ =	sdelay $0x1  }
0x4d: {  	[tilespmem:s23+$0xFFFFFFF0] =	vst v0  }
0x4e: {  	v0 =	vld [tilespmem:s22+$0x80]  }
0x4f: {  	v1 =	vld [tilespmem:s22+$0x5080];
	_ =	sdelay $0x1  }
0x50: {  	v2 =	vld [tilespmem:s22+$0xA080];
	_ =	sdelay $0x1  }
0x51: {  	v3 =	vld [tilespmem:s22+$0xF080]  }
0x52: {  	v0 =	vadd.f32 v1, v0;
	_ =	sdelay $0x1  }
0x53: {  	v0 =	vadd.f32 v2, v0;
	_ =	sdelay $0x1  }
0x54: {  	v0 =	vadd.f32 v3, v0;
	_ =	sdelay $0x1  }
0x55: {  	[tilespmem:s23+$0x0] =	vst v0  }
0x56: {  	v0 =	vld [tilespmem:s22+$0x90]  }
0x57: {  	v1 =	vld [tilespmem:s22+$0x5090];
	_ =	sdelay $0x1  }
0x58: {  	v2 =	vld [tilespmem:s22+$0xA090];
	_ =	sdelay $0x1  }
0x59: {  	v3 =	vld [tilespmem:s22+$0xF090]  }
0x5a: {  	v0 =	vadd.f32 v1, v0;
	_ =	sdelay $0x1  }
0x5b: {  	v0 =	vadd.f32 v2, v0;
	_ =	sdelay $0x1  }
0x5c: {  	v0 =	vadd.f32 v3, v0;
	_ =	sdelay $0x1  }
0x5d: {  	[tilespmem:s23+$0x10] =	vst v0  }
0x5e: {  	v0 =	vld [tilespmem:s22+$0xA0]  }
0x5f: {  	v1 =	vld [tilespmem:s22+$0x50A0];
	_ =	sdelay $0x1  }
0x60: {  	v2 =	vld [tilespmem:s22+$0xA0A0];
	_ =	sdelay $0x1  }
0x61: {  	v3 =	vld [tilespmem:s22+$0xF0A0]  }
0x62: {  	v0 =	vadd.f32 v1, v0;
	_ =	sdelay $0x1  }
0x63: {  	v0 =	vadd.f32 v2, v0;
	_ =	sdelay $0x1  }
0x64: {  	v0 =	vadd.f32 v3, v0;
	_ =	sdelay $0x1  }
0x65: {  	[tilespmem:s23+$0x20] =	vst v0  }
0x66: {  	v0 =	vld [tilespmem:s22+$0xB0]  }
0x67: {  	v3 =	vld [tilespmem:s22+$0x50B0]  }
0x68: {  	v2 =	vld [tilespmem:s22+$0xA0B0]  }
0x69: {  	s25 =	simm.s32 $0x0;
	s24 =	simm.s32 $0x142C0;
	v1 =	vld [tilespmem:s22+$0xF0B0]  }
.LBB2_3:
0x6a: {  	s25 =	sadd.s32 $0x2, s25;
	s22 =	sadd.s32 $0x100, s22;
	s23 =	sadd.s32 $0x80, s23  }
0x6b: {  	p0 =	slt.u32 s25, $0x9E  }
0x6c: {  	v0 =	vadd.f32 v3, v0;
	_ =	sdelay $0x1  }
0x6d: {  	v0 =	vadd.f32 v2, v0;
	_ =	sdelay $0x1  }
0x6e: {  	v0 =	vadd.f32 v1, v0;
	_ =	sdelay $0x1  }
0x6f: {  	[tilespmem:s24+$0x30] =	vst v0;
	s24 =	smov.u32 s23  }
0x70: {  	v0 =	vld [tilespmem:s22+$0x5000]  }
0x71: {  	v1 =	vld [tilespmem:s22+$0x0]  }
0x72: {  	v2 =	vld [tilespmem:s22+$0xA000];
	_ =	sdelay $0x2  }
0x73: {  	v3 =	vld [tilespmem:s22+$0xF000]  }
0x74: {  	v0 =	vadd.f32 v0, v1;
	_ =	sdelay $0x1  }
0x75: {  	v0 =	vadd.f32 v2, v0;
	_ =	sdelay $0x1  }
0x76: {  	v0 =	vadd.f32 v3, v0;
	_ =	sdelay $0x1  }
0x77: {  	[tilespmem:s23+$0xFFFFFFC0] =	vst v0  }
0x78: {  	v0 =	vld [tilespmem:s22+$0x10]  }
0x79: {  	v1 =	vld [tilespmem:s22+$0x5010];
	_ =	sdelay $0x1  }
0x7a: {  	v2 =	vld [tilespmem:s22+$0xA010];
	_ =	sdelay $0x1  }
0x7b: {  	v3 =	vld [tilespmem:s22+$0xF010]  }
0x7c: {  	v0 =	vadd.f32 v1, v0;
	_ =	sdelay $0x1  }
0x7d: {  	v0 =	vadd.f32 v2, v0;
	_ =	sdelay $0x1  }
0x7e: {  	v0 =	vadd.f32 v3, v0;
	_ =	sdelay $0x1  }
0x7f: {  	[tilespmem:s23+$0xFFFFFFD0] =	vst v0  }
0x80: {  	v0 =	vld [tilespmem:s22+$0x20]  }
0x81: {  	v1 =	vld [tilespmem:s22+$0x5020];
	_ =	sdelay $0x1  }
0x82: {  	v2 =	vld [tilespmem:s22+$0xA020];
	_ =	sdelay $0x1  }
0x83: {  	v3 =	vld [tilespmem:s22+$0xF020]  }
0x84: {  	v0 =	vadd.f32 v1, v0;
	_ =	sdelay $0x1  }
0x85: {  	v0 =	vadd.f32 v2, v0;
	_ =	sdelay $0x1  }
0x86: {  	v0 =	vadd.f32 v3, v0;
	_ =	sdelay $0x1  }
0x87: {  	[tilespmem:s23+$0xFFFFFFE0] =	vst v0  }
0x88: {  	v0 =	vld [tilespmem:s22+$0x30]  }
0x89: {  	v1 =	vld [tilespmem:s22+$0x5030]  }
0x8a: {  	v2 =	vld [tilespmem:s22+$0xA030];
	_ =	sdelay $0x2  }
0x8b: {  	v3 =	vld [tilespmem:s22+$0xF030]  }
0x8c: {  	v0 =	vadd.f32 v1, v0;
	_ =	sdelay $0x1  }
0x8d: {  	v0 =	vadd.f32 v2, v0;
	_ =	sdelay $0x1  }
0x8e: {  	v0 =	vadd.f32 v3, v0;
	_ =	sdelay $0x1  }
0x8f: {  	[tilespmem:s23+$0xFFFFFFF0] =	vst v0  }
0x90: {  	v0 =	vld [tilespmem:s22+$0x80]  }
0x91: {  	v1 =	vld [tilespmem:s22+$0x5080];
	_ =	sdelay $0x1  }
0x92: {  	v2 =	vld [tilespmem:s22+$0xA080];
	_ =	sdelay $0x1  }
0x93: {  	v3 =	vld [tilespmem:s22+$0xF080]  }
0x94: {  	v0 =	vadd.f32 v1, v0;
	_ =	sdelay $0x1  }
0x95: {  	v0 =	vadd.f32 v2, v0;
	_ =	sdelay $0x1  }
0x96: {  	v0 =	vadd.f32 v3, v0;
	_ =	sdelay $0x1  }
0x97: {  	[tilespmem:s23+$0x0] =	vst v0  }
0x98: {  	v0 =	vld [tilespmem:s22+$0x90]  }
0x99: {  	v1 =	vld [tilespmem:s22+$0x5090]  }
0x9a: {  	v2 =	vld [tilespmem:s22+$0xA090]  }
0x9b: {  	v3 =	vld [tilespmem:s22+$0xF090];
	_ =	sdelay $0x2  }
0x9c: {  	v0 =	vadd.f32 v1, v0;
	_ =	sdelay $0x1  }
0x9d: {  	v0 =	vadd.f32 v2, v0;
	_ =	sdelay $0x1  }
0x9e: {  	v0 =	vadd.f32 v3, v0;
	_ =	sdelay $0x1  }
0x9f: {  	[tilespmem:s23+$0x10] =	vst v0  }
0xa0: {  	v0 =	vld [tilespmem:s22+$0xA0]  }
0xa1: {  	v1 =	vld [tilespmem:s22+$0x50A0]  }
0xa2: {  	v2 =	vld [tilespmem:s22+$0xA0A0]  }
0xa3: {  	v3 =	vld [tilespmem:s22+$0xF0A0];
	_ =	sdelay $0x2  }
0xa4: {  	v0 =	vadd.f32 v1, v0;
	_ =	sdelay $0x1  }
0xa5: {  	v0 =	vadd.f32 v2, v0;
	_ =	sdelay $0x1  }
0xa6: {  	v0 =	vadd.f32 v3, v0;
	_ =	sdelay $0x1  }
.Ltmp0:
0xa7: {  	[tilespmem:s23+$0x20] =	vst v0;
	(pc) =	sbr.rel @p0 .LBB2_3-.Ltmp0, $4  }
0xa8: {  	v0 =	vld [tilespmem:s22+$0xB0]  }
0xa9: {  	v3 =	vld [tilespmem:s22+$0x50B0]  }
0xaa: {  	v2 =	vld [tilespmem:s22+$0xA0B0]  }
0xab: {  	v1 =	vld [tilespmem:s22+$0xF0B0]  }
0xac: {  	_ =	sdelay $0x1  }
0xad: {  	v0 =	vadd.f32 v3, v0;
	_ =	sdelay $0x1  }
0xae: {  	s22 =	smul.u32 $0xA0, s21;
	v0 =	vadd.f32 v2, v0;
	_ =	sdelay $0x1  }
0xaf: {  	s21 =	sadd.s32 $0x1, s21;
	s22 =	sadd.s32 s5, s22;
	v0 =	vadd.f32 v1, v0  }
0xb0: {  	p0 =	sne.s32 s21, $0xA;
	s22 =	sshll.u32 s22, $0x3  }
.Ltmp1:
0xb1: {  	s22 =	sadd.s32 s2, s22;
	[tilespmem:s24+$0x30] =	vst v0;
	(pc) =	sbr.rel @p0 .LBB2_2-.Ltmp1, $4  }
0xb2: {  	[hbm4b:s22+s3] =	stream.linear.scatter [tilespmem:s19], [sflag:$0x2], $0x2800, $0x38;
	[tilespmem:$0x16A80] =	vst v63  }
0xb3: {  	_ =	swait.ge [sflag:s9], $0x2800  }
0xb4: {  	[sflag:s9] =	ssyncset.done $0x0  }
0xb5: {  	[sflag:s9] =	ssyncadd.s32 $0xFFFFD800  }
0xb6: {  	s20 =	sadd.s32 $0x1, s20  }
0xb7: {  	p0 =	sne.s32 s20, s8  }
.Ltmp2:
0xb8: {  	_ = 	snop;
	(pc) =	sbr.rel @p0 .LBB2_1-.Ltmp2, $1  }
0xb9: {  	_ =	sdelay $0x3  }
0xba: {  	_ =	sfence.sel $0x180000  }
0xbb: {  	[bflag:$0x0] =	sbarrier.arrive $0xFFFF  }
0xbc: {  	p0 =	sne.s32 s1, $0x0;
	_ =	strace $0x90000047  }
0xbd: {  	s0 =	sadd.s32 @!p0 $0x100000, s0;
	[bflag:$0x2] =	sbarrier.arrive $0xFFFF  }
0xbe: {  	[sflag:s0] =	ssyncadd.tile.s32 @!p0 $0x1;
	_ =	shalt  }
.Lfunc_end2:
_tile_overlayer_lowered:
.L_overlay_start_2:
0xbf: {  	(tag) =	ssettag $0x2  }
0xc0: {  	s0 =	rddreg [dreg:$0x0];
	s2 =	stileid.u32  }
0xc1: {  	s1 =	rddreg [dreg:$0x1];
	p0 =	sne.s32 s2, $0x0  }
0xc2: {  	s3 =	rddreg [dreg:$0x2];
	[bflag:$0x3] =	sbarrier.arrive $0xFFFF;
	s2 =	simm.s32 @!p0 $0x1C02  }
0xc3: {  	[timem:s3], [sflag:s2] =	dma.local @!p0 [hbm:s0], s1  }
0xc4: {  	s0 =	simm.s32 @!p0 $0x2  }
0xc5: {  	_ =	swait.ge @!p0 [sflag:s0], s1  }
0xc6: {  	s1 =	ssub.s32 @!p0 $0x0, s1;
	[sflag:s0] =	ssyncset.done @!p0 $0x0  }
0xc7: {  	[sflag:s0] =	ssyncadd.s32 @!p0 s1  }
0xc8: {  	[bflag:$0x3] =	sbarrier.arrive $0xFFFF  }
0xc9: {  	_ =	shalt  }

</sc_bundles>
